<compile_context>
chip_gen: v7x
topology: tpu7x:2x2x1
jax: 0.10.2.dev20260603
libtpu: 0.0.44.dev20260713+nightly
codegen_flags: <defaults>
</compile_context>

<pallas_src>
import functools

import jax
import jax.numpy as jnp
from jax import lax
from jax.experimental import pallas as pl
from jax.experimental.pallas import tpu as pltpu
from jax.experimental.pallas import tpu_sc as plsc

N = 10000
D = 128
HD = D // 2
E = 320000
NC = 2
NS = 16
CH = 128
CPT = 160
PAIRS = CPT // 2
NCHT = NS * CPT
PE = NCHT * CH
NP = 10240
RPT = NP // NS
ZCH = 128
CW = 16


def _agg_body(with_cnt, x01_hbm, src_hbm, dst_hbm, *refs):
    if with_cnt:
        (agg_hbm, cnt_hbm, acc_sh, r0, r1, src_v, dst_v,
         cnt_v, g0, g1) = refs
    else:
        (agg_hbm, acc_sh, r0, r1, src_v, dst_v, g0, g1) = refs
    rows = [r0, r1]
    gsem = [g0, g1]
    c = lax.axis_index("c")
    s = lax.axis_index("s")
    cbase = s * CPT

    z16 = jnp.zeros((16,), jnp.float32)
    one16 = jnp.ones((16,), jnp.float32)

    def _zero_rows(r, _):
        for l in range(HD // 16):
            rows[0][r, pl.ds(l * 16, 16)] = z16
        return 0
    lax.fori_loop(0, ZCH, _zero_rows, 0)

    for q in range(RPT // ZCH):
        pltpu.sync_copy(rows[0].at[pl.ds(0, ZCH)],
                        acc_sh.at[pl.ds(s * RPT + q * ZCH, ZCH)])

    if with_cnt:
        def _zero_cnt(r, _):
            cnt_v[pl.ds(r * 16, 16)] = z16
            return 0
        lax.fori_loop(0, NP // 16, _zero_cnt, 0)

    pltpu.sync_copy(src_hbm.at[pl.ds(cbase, CPT)], src_v)
    pltpu.sync_copy(dst_hbm.at[pl.ds(cbase, CPT)], dst_v)

    plsc.subcore_barrier()

    table = x01_hbm.at[c]

    pltpu.async_copy(table.at[src_v.at[0]], rows[0], gsem[0])
    pltpu.async_copy(table.at[src_v.at[1]], rows[1], gsem[1])

    def _half(k, ck, rows_j, sem_j, cnt_core):
        pltpu.make_async_copy(table.at[src_v.at[ck]], rows_j, sem_j).wait()
        pltpu.sync_copy(rows_j, acc_sh.at[dst_v.at[ck]], add=True)

        @pl.when(k < PAIRS - 1)
        def _():
            pltpu.async_copy(table.at[src_v.at[ck + 2]], rows_j, sem_j)
        if with_cnt:
            @pl.when(c == cnt_core)
            def _():
                for l in range(CH // 16):
                    idx = dst_v[ck, pl.ds(l * 16, 16)]
                    plsc.addupdate_scatter(cnt_v, [idx], one16)

    def _edge_pair(k, _):
        _half(k, 2 * k, rows[0], gsem[0], 0)
        _half(k, 2 * k + 1, rows[1], gsem[1], 1)
        return 0
    lax.fori_loop(0, PAIRS, _edge_pair, 0)

    plsc.subcore_barrier()

    pltpu.sync_copy(acc_sh.at[pl.ds(s * RPT, RPT)],
                    agg_hbm.at[c, pl.ds(s * RPT, RPT)])
    if with_cnt:
        pltpu.sync_copy(cnt_v, cnt_hbm.at[c, s])


@functools.lru_cache(maxsize=None)
def _make_sc_aggregate(with_cnt):
    out_type = [jax.ShapeDtypeStruct((NC, NP, HD), jnp.float32)]
    scratch = [
        pltpu.VMEM_SHARED((NP, HD), jnp.float32),
        pltpu.VMEM((CH, HD), jnp.float32),
        pltpu.VMEM((CH, HD), jnp.float32),
        pltpu.VMEM((CPT, CH), jnp.int32),
        pltpu.VMEM((CPT, CH), jnp.int32),
        pltpu.SemaphoreType.DMA,
        pltpu.SemaphoreType.DMA,
    ]
    if with_cnt:
        out_type.append(jax.ShapeDtypeStruct((NC, NS, NP), jnp.float32))
        scratch[5:5] = [pltpu.VMEM((NP,), jnp.float32)]

    @functools.partial(
        pl.kernel,
        out_type=tuple(out_type),
        mesh=plsc.VectorSubcoreMesh(core_axis_name="c", subcore_axis_name="s",
                                    num_cores=NC, num_subcores=NS),
        scratch_types=tuple(scratch),
        compiler_params=pltpu.CompilerParams(use_tc_tiling_on_sc=False,
                                             needs_layout_passes=False),
    )
    def _sc_aggregate(*refs):
        _agg_body(with_cnt, *refs)

    return _sc_aggregate


BR = 1024


def _combine_body(relu, split_in, split_out,
                  x_ref, agg_ref, cnt_ref, wl_ref, wr_ref, b_ref, o_ref):
    i = pl.program_id(0)
    cnt = jnp.sum(cnt_ref[:, :, pl.ds(i * BR, BR)], axis=(0, 1))[:, None]
    inv = 1.0 / jnp.maximum(cnt, 1.0)
    mean = jnp.concatenate([agg_ref[0], agg_ref[1]], axis=1) * inv
    xb = (jnp.concatenate([x_ref[0], x_ref[1]], axis=1) if split_in
          else x_ref[...])
    acc = (jnp.dot(mean, wl_ref[...], preferred_element_type=jnp.float32)
           + jnp.dot(xb, wr_ref[...], preferred_element_type=jnp.float32)
           + b_ref[...])
    if relu:
        acc = jnp.maximum(acc, 0.0)
    if split_out:
        o_ref[0] = acc[:, :HD]
        o_ref[1] = acc[:, HD:]
    else:
        o_ref[...] = acc


def _tc_combine(x, agg, cnt, Wl, Wr, b, relu, split_in, split_out):
    x_spec = (pl.BlockSpec((NC, BR, HD), lambda i: (0, i, 0)) if split_in
              else pl.BlockSpec((BR, D), lambda i: (i, 0)))
    if split_out:
        out_spec = pl.BlockSpec((NC, BR, HD), lambda i: (0, i, 0))
        out_shape = jax.ShapeDtypeStruct((NC, N, HD), jnp.float32)
    else:
        out_spec = pl.BlockSpec((BR, D), lambda i: (i, 0))
        out_shape = jax.ShapeDtypeStruct((N, D), jnp.float32)
    return pl.pallas_call(
        functools.partial(_combine_body, relu, split_in, split_out),
        grid=((N + BR - 1) // BR,),
        in_specs=[
            x_spec,
            pl.BlockSpec((NC, BR, HD), lambda i: (0, i, 0)),
            pl.BlockSpec((NC, NS, NP), lambda i: (0, 0, 0)),
            pl.BlockSpec((D, D), lambda i: (0, 0)),
            pl.BlockSpec((D, D), lambda i: (0, 0)),
            pl.BlockSpec((1, D), lambda i: (0, 0)),
        ],
        out_specs=out_spec,
        out_shape=out_shape,
    )(x, agg, cnt, Wl, Wr, b.reshape(1, D))


def kernel(x, edge_index, Wl1, Wr1, b1, Wl2, Wr2, b2):
    src = edge_index[0].astype(jnp.int32)
    dst = edge_index[1].astype(jnp.int32)
    srcp = jnp.concatenate(
        [src, jnp.zeros((PE - E,), jnp.int32)]).reshape(NCHT, CH)
    pad_dst = N + jnp.arange(PE - E, dtype=jnp.int32) % (NP - N)
    dstp = jnp.concatenate([dst, pad_dst]).reshape(NCHT, CH)
    x01 = jnp.stack([x[:, :HD], x[:, HD:]])
    agg1, cnt = _make_sc_aggregate(True)(x01, srcp, dstp)
    h01 = _tc_combine(x, agg1, cnt, Wl1, Wr1, b1,
                      relu=True, split_in=False, split_out=True)
    agg2, = _make_sc_aggregate(False)(h01, srcp, dstp)
    return _tc_combine(h01, agg2, cnt, Wl2, Wr2, b2,
                       relu=False, split_in=True, split_out=False)

# --- scband reference (transcript-rebuilt; emitter-appended) ---
"""Pipeline reference for scband-graph-sage-86397562126633 (READ-ONLY COPY).

The authoritative reference and input builder live on the scoring server;
editing this copy changes nothing except your own understanding.
"""

import jax, jax.numpy as jnp
import numpy as np

N_NODES = 10000
N_EDGES = 320000
IN_FEATS = 128
HIDDEN = 128
OUT_FEATS = 128


def _sage_conv(x, edge_index, W_l, W_r, b):
    # PyG SAGEConv (mean aggregation):
    # out[i] = lin_l(mean_{j in N(i)} x[j]) + lin_r(x[i])
    src = edge_index[0]
    dst = edge_index[1]
    n = x.shape[0]
    msgs = jnp.take(x, src, axis=0)                      # gather  [E, d]
    agg = jax.ops.segment_sum(msgs, dst, num_segments=n)  # scatter-add [N, d]
    cnt = jax.ops.segment_sum(jnp.ones((msgs.shape[0], 1), dtype=x.dtype), dst, num_segments=n)
    mean = agg / jnp.maximum(cnt, 1.0)
    return mean @ W_l + x @ W_r + b


def setup_inputs(seed: int = 0) -> dict:
    key = jax.random.key(seed)
    ks = jax.random.split(key, 8)
    x = jax.random.normal(ks[0], (N_NODES, IN_FEATS), dtype=jnp.float32)
    edge_index = jax.random.randint(ks[1], (2, N_EDGES), 0, N_NODES, dtype=jnp.int64)
    s1 = 1.0 / np.sqrt(IN_FEATS)
    s2 = 1.0 / np.sqrt(HIDDEN)
    Wl1 = jax.random.uniform(ks[2], (IN_FEATS, HIDDEN), dtype=jnp.float32, minval=-s1, maxval=s1)
    Wr1 = jax.random.uniform(ks[3], (IN_FEATS, HIDDEN), dtype=jnp.float32, minval=-s1, maxval=s1)
    b1 = jnp.zeros((HIDDEN,), dtype=jnp.float32)
    Wl2 = jax.random.uniform(ks[4], (HIDDEN, OUT_FEATS), dtype=jnp.float32, minval=-s2, maxval=s2)
    Wr2 = jax.random.uniform(ks[5], (HIDDEN, OUT_FEATS), dtype=jnp.float32, minval=-s2, maxval=s2)
    b2 = jnp.zeros((OUT_FEATS,), dtype=jnp.float32)
    return {"x": x, "edge_index": edge_index, "Wl1": Wl1, "Wr1": Wr1, "b1": b1, "Wl2": Wl2, "Wr2": Wr2, "b2": b2}


def reference(x, edge_index, Wl1, Wr1, b1, Wl2, Wr2, b2):
    h = _sage_conv(x, edge_index, Wl1, Wr1, b1)
    h = jax.nn.relu(h)
    out = _sage_conv(h, edge_index, Wl2, Wr2, b2)
    return out

if __name__ == "__main__":
    import jax
    _d = setup_inputs()
    print(jax.jit(kernel)(*tuple(_d.values())))

</pallas_src>

<mosaic_0001>
#map = affine_map<(d0, d1) -> (0, 0, 0)>
#map1 = affine_map<(d0, d1) -> (0, 0)>
module attributes {stable_mosaic.version = 14 : i64} {
  func.func @_sc_aggregate(%arg0: i32, %arg1: i32, %arg2: memref<2x10000x64xf32, #tpu.memory_space<hbm>>, %arg3: memref<2560x128xi32, #tpu.memory_space<hbm>>, %arg4: memref<2560x128xi32, #tpu.memory_space<hbm>>, %arg5: memref<2x10240x64xf32, #tpu.memory_space<hbm>>, %arg6: memref<2x16x10240xf32, #tpu.memory_space<hbm>>, %arg7: memref<10240x64xf32, #tpu.memory_space<vmem_shared>>, %arg8: memref<128x64xf32, #tpu.memory_space<vmem>>, %arg9: memref<128x64xf32, #tpu.memory_space<vmem>>, %arg10: memref<160x128xi32, #tpu.memory_space<vmem>>, %arg11: memref<160x128xi32, #tpu.memory_space<vmem>>, %arg12: memref<10240xf32, #tpu.memory_space<vmem>>, %arg13: memref<!tpu.dma_semaphore, #tpu.memory_space<semaphore_mem>>, %arg14: memref<!tpu.dma_semaphore, #tpu.memory_space<semaphore_mem>>) attributes {dimension_semantics = [#tpu.dimension_semantics<core_parallel>, #tpu.dimension_semantics<subcore_parallel>], iteration_bounds = array<i64: 2, 16>, scalar_prefetch = 0 : i64, scratch_operands = 8 : i64, tpu.core_type = #tpu.core_type<sc_vector_subcore>, window_params = [{transform_indices = #map}, {transform_indices = #map1}, {transform_indices = #map1}, {transform_indices = #map}, {transform_indices = #map}]} {
    %mul3A = arith.constant 160 : i32
    %mul3A_0 = arith.muli %arg1, %mul3A : i32
    %broadcast_in_dim3A = arith.constant 0.000000e+00 : f32
    %broadcast_in_dim3A_1 = vector.broadcast %broadcast_in_dim3A : f32 to vector<16xf32>
    %broadcast_in_dim3A_2 = arith.constant 1.000000e+00 : f32
    %broadcast_in_dim3A_3 = vector.broadcast %broadcast_in_dim3A_2 : f32 to vector<16xf32>
    %scan3A = arith.constant 0 : i32
    %scan3A_4 = arith.constant 0 : i32
    %scan3A_5 = arith.constant 128 : i32
    %scan3A_6 = arith.addi %scan3A_4, %scan3A_5 : i32
    %scan3A_7 = arith.constant 1 : i32
    %scan3A_8 = scf.for %scan3A_69 = %scan3A_4 to %scan3A_6 step %scan3A_7 iter_args(%scan3A_70 = %scan3A) -> (i32)  : i32 {
      %swap3A = arith.index_cast %scan3A_69 : i32 to index
      %swap3A_71 = arith.constant 0 : index
      %swap3A_72 = tpu.vector_load %arg8[%swap3A, %swap3A_71] {strides = array<i32>} : memref<128x64xf32, #tpu.memory_space<vmem>>, vector<16xf32>,
      tpu.vector_store %arg8[%swap3A, %swap3A_71], %broadcast_in_dim3A_1 {strides = array<i32>} : memref<128x64xf32, #tpu.memory_space<vmem>>, vector<16xf32>,
      %swap3A_73 = arith.index_cast %scan3A_69 : i32 to index
      %swap3A_74 = arith.constant 16 : index
      %swap3A_75 = tpu.vector_load %arg8[%swap3A_73, %swap3A_74] {strides = array<i32>} : memref<128x64xf32, #tpu.memory_space<vmem>>, vector<16xf32>,
      tpu.vector_store %arg8[%swap3A_73, %swap3A_74], %broadcast_in_dim3A_1 {strides = array<i32>} : memref<128x64xf32, #tpu.memory_space<vmem>>, vector<16xf32>,
      %swap3A_76 = arith.index_cast %scan3A_69 : i32 to index
      %swap3A_77 = arith.constant 32 : index
      %swap3A_78 = tpu.vector_load %arg8[%swap3A_76, %swap3A_77] {strides = array<i32>} : memref<128x64xf32, #tpu.memory_space<vmem>>, vector<16xf32>,
      tpu.vector_store %arg8[%swap3A_76, %swap3A_77], %broadcast_in_dim3A_1 {strides = array<i32>} : memref<128x64xf32, #tpu.memory_space<vmem>>, vector<16xf32>,
      %swap3A_79 = arith.index_cast %scan3A_69 : i32 to index
      %swap3A_80 = arith.constant 48 : index
      %swap3A_81 = tpu.vector_load %arg8[%swap3A_79, %swap3A_80] {strides = array<i32>} : memref<128x64xf32, #tpu.memory_space<vmem>>, vector<16xf32>,
      tpu.vector_store %arg8[%swap3A_79, %swap3A_80], %broadcast_in_dim3A_1 {strides = array<i32>} : memref<128x64xf32, #tpu.memory_space<vmem>>, vector<16xf32>,
      %scan3A_82 = arith.constant 0 : i32
      scf.yield %scan3A_82 : i32
    }
    %scan3A_9 = arith.constant 128 : i32
    %mul3A_10 = arith.constant 640 : i32
    %mul3A_11 = arith.muli %arg1, %mul3A_10 : i32
    %add3A = arith.constant 0 : i32
    %add3A_12 = arith.addi %mul3A_11, %add3A : i32
    "tpu.region"() ({
      %run_scoped3A = tpu.sem_alloc : memref<!tpu.dma_semaphore, #tpu.memory_space<semaphore_mem>>
      %dma_start3A_69 = arith.constant 0 : i32
      %dma_start3A_70 = arith.constant 0 : i32
      %dma_start3A_71 = tpu.memref_slice %arg8[%dma_start3A_69, %dma_start3A_70] : memref<128x64xf32, #tpu.memory_space<vmem>> -> memref<128x64xf32, #tpu.memory_space<vmem>>
      %dma_start3A_72 = arith.constant 0 : i32
      %dma_start3A_73 = tpu.memref_slice %arg7[%add3A_12, %dma_start3A_72] : memref<10240x64xf32, #tpu.memory_space<vmem_shared>> -> memref<128x64xf32, #tpu.memory_space<vmem_shared>>
      %dma_start3A_74 = arith.constant 0 : i32
      %dma_start3A_75 = tpu.memref_slice %arg7[%add3A_12, %dma_start3A_74] : memref<10240x64xf32, #tpu.memory_space<vmem_shared>> -> memref<128x64xf32, #tpu.memory_space<vmem_shared>>
      %dma_start3A_76 = arith.constant 0 : i32
      %dma_start3A_77 = arith.constant 0 : i32
      %dma_start3A_78 = tpu.memref_slice %arg8[%dma_start3A_76, %dma_start3A_77] : memref<128x64xf32, #tpu.memory_space<vmem>> -> memref<128x64xf32, #tpu.memory_space<vmem>>
      tpu.enqueue_dma source(%dma_start3A_78 : memref<128x64xf32, #tpu.memory_space<vmem>>) target(%dma_start3A_75 : memref<128x64xf32, #tpu.memory_space<vmem_shared>>) target_semaphore(%run_scoped3A : memref<!tpu.dma_semaphore, #tpu.memory_space<semaphore_mem>>)
      %dma_wait3A = arith.constant 0 : i32
      %dma_wait3A_79 = arith.constant 0 : i32
      %dma_wait3A_80 = tpu.memref_slice %arg8[%dma_wait3A, %dma_wait3A_79] : memref<128x64xf32, #tpu.memory_space<vmem>> -> memref<128x64xf32, #tpu.memory_space<vmem>>
      %dma_wait3A_81 = arith.constant 0 : i32
      %dma_wait3A_82 = tpu.memref_slice %arg7[%add3A_12, %dma_wait3A_81] : memref<10240x64xf32, #tpu.memory_space<vmem_shared>> -> memref<128x64xf32, #tpu.memory_space<vmem_shared>>
      %dma_wait3A_83 = arith.constant 0 : i32
      %dma_wait3A_84 = tpu.memref_slice %arg7[%add3A_12, %dma_wait3A_83] : memref<10240x64xf32, #tpu.memory_space<vmem_shared>> -> memref<128x64xf32, #tpu.memory_space<vmem_shared>>
      %dma_wait3A_85 = arith.constant 0 : i32
      %dma_wait3A_86 = arith.constant 0 : i32
      %dma_wait3A_87 = tpu.memref_slice %arg8[%dma_wait3A_85, %dma_wait3A_86] : memref<128x64xf32, #tpu.memory_space<vmem>> -> memref<128x64xf32, #tpu.memory_space<vmem>>
      tpu.wait_dma2 semaphore(%run_scoped3A : memref<!tpu.dma_semaphore, #tpu.memory_space<semaphore_mem>>) src(%dma_wait3A_87 : memref<128x64xf32, #tpu.memory_space<vmem>>) dst(%dma_wait3A_84 : memref<128x64xf32, #tpu.memory_space<vmem_shared>>)
      tpu.yield
    }) : () -> ()
    %mul3A_13 = arith.constant 640 : i32
    %mul3A_14 = arith.muli %arg1, %mul3A_13 : i32
    %add3A_15 = arith.constant 128 : i32
    %add3A_16 = arith.addi %mul3A_14, %add3A_15 : i32
    "tpu.region"() ({
      %run_scoped3A = tpu.sem_alloc : memref<!tpu.dma_semaphore, #tpu.memory_space<semaphore_mem>>
      %dma_start3A_69 = arith.constant 0 : i32
      %dma_start3A_70 = arith.constant 0 : i32
      %dma_start3A_71 = tpu.memref_slice %arg8[%dma_start3A_69, %dma_start3A_70] : memref<128x64xf32, #tpu.memory_space<vmem>> -> memref<128x64xf32, #tpu.memory_space<vmem>>
      %dma_start3A_72 = arith.constant 0 : i32
      %dma_start3A_73 = tpu.memref_slice %arg7[%add3A_16, %dma_start3A_72] : memref<10240x64xf32, #tpu.memory_space<vmem_shared>> -> memref<128x64xf32, #tpu.memory_space<vmem_shared>>
      %dma_start3A_74 = arith.constant 0 : i32
      %dma_start3A_75 = tpu.memref_slice %arg7[%add3A_16, %dma_start3A_74] : memref<10240x64xf32, #tpu.memory_space<vmem_shared>> -> memref<128x64xf32, #tpu.memory_space<vmem_shared>>
      %dma_start3A_76 = arith.constant 0 : i32
      %dma_start3A_77 = arith.constant 0 : i32
      %dma_start3A_78 = tpu.memref_slice %arg8[%dma_start3A_76, %dma_start3A_77] : memref<128x64xf32, #tpu.memory_space<vmem>> -> memref<128x64xf32, #tpu.memory_space<vmem>>
      tpu.enqueue_dma source(%dma_start3A_78 : memref<128x64xf32, #tpu.memory_space<vmem>>) target(%dma_start3A_75 : memref<128x64xf32, #tpu.memory_space<vmem_shared>>) target_semaphore(%run_scoped3A : memref<!tpu.dma_semaphore, #tpu.memory_space<semaphore_mem>>)
      %dma_wait3A = arith.constant 0 : i32
      %dma_wait3A_79 = arith.constant 0 : i32
      %dma_wait3A_80 = tpu.memref_slice %arg8[%dma_wait3A, %dma_wait3A_79] : memref<128x64xf32, #tpu.memory_space<vmem>> -> memref<128x64xf32, #tpu.memory_space<vmem>>
      %dma_wait3A_81 = arith.constant 0 : i32
      %dma_wait3A_82 = tpu.memref_slice %arg7[%add3A_16, %dma_wait3A_81] : memref<10240x64xf32, #tpu.memory_space<vmem_shared>> -> memref<128x64xf32, #tpu.memory_space<vmem_shared>>
      %dma_wait3A_83 = arith.constant 0 : i32
      %dma_wait3A_84 = tpu.memref_slice %arg7[%add3A_16, %dma_wait3A_83] : memref<10240x64xf32, #tpu.memory_space<vmem_shared>> -> memref<128x64xf32, #tpu.memory_space<vmem_shared>>
      %dma_wait3A_85 = arith.constant 0 : i32
      %dma_wait3A_86 = arith.constant 0 : i32
      %dma_wait3A_87 = tpu.memref_slice %arg8[%dma_wait3A_85, %dma_wait3A_86] : memref<128x64xf32, #tpu.memory_space<vmem>> -> memref<128x64xf32, #tpu.memory_space<vmem>>
      tpu.wait_dma2 semaphore(%run_scoped3A : memref<!tpu.dma_semaphore, #tpu.memory_space<semaphore_mem>>) src(%dma_wait3A_87 : memref<128x64xf32, #tpu.memory_space<vmem>>) dst(%dma_wait3A_84 : memref<128x64xf32, #tpu.memory_space<vmem_shared>>)
      tpu.yield
    }) : () -> ()
    %mul3A_17 = arith.constant 640 : i32
    %mul3A_18 = arith.muli %arg1, %mul3A_17 : i32
    %add3A_19 = arith.constant 256 : i32
    %add3A_20 = arith.addi %mul3A_18, %add3A_19 : i32
    "tpu.region"() ({
      %run_scoped3A = tpu.sem_alloc : memref<!tpu.dma_semaphore, #tpu.memory_space<semaphore_mem>>
      %dma_start3A_69 = arith.constant 0 : i32
      %dma_start3A_70 = arith.constant 0 : i32
      %dma_start3A_71 = tpu.memref_slice %arg8[%dma_start3A_69, %dma_start3A_70] : memref<128x64xf32, #tpu.memory_space<vmem>> -> memref<128x64xf32, #tpu.memory_space<vmem>>
      %dma_start3A_72 = arith.constant 0 : i32
      %dma_start3A_73 = tpu.memref_slice %arg7[%add3A_20, %dma_start3A_72] : memref<10240x64xf32, #tpu.memory_space<vmem_shared>> -> memref<128x64xf32, #tpu.memory_space<vmem_shared>>
      %dma_start3A_74 = arith.constant 0 : i32
      %dma_start3A_75 = tpu.memref_slice %arg7[%add3A_20, %dma_start3A_74] : memref<10240x64xf32, #tpu.memory_space<vmem_shared>> -> memref<128x64xf32, #tpu.memory_space<vmem_shared>>
      %dma_start3A_76 = arith.constant 0 : i32
      %dma_start3A_77 = arith.constant 0 : i32
      %dma_start3A_78 = tpu.memref_slice %arg8[%dma_start3A_76, %dma_start3A_77] : memref<128x64xf32, #tpu.memory_space<vmem>> -> memref<128x64xf32, #tpu.memory_space<vmem>>
      tpu.enqueue_dma source(%dma_start3A_78 : memref<128x64xf32, #tpu.memory_space<vmem>>) target(%dma_start3A_75 : memref<128x64xf32, #tpu.memory_space<vmem_shared>>) target_semaphore(%run_scoped3A : memref<!tpu.dma_semaphore, #tpu.memory_space<semaphore_mem>>)
      %dma_wait3A = arith.constant 0 : i32
      %dma_wait3A_79 = arith.constant 0 : i32
      %dma_wait3A_80 = tpu.memref_slice %arg8[%dma_wait3A, %dma_wait3A_79] : memref<128x64xf32, #tpu.memory_space<vmem>> -> memref<128x64xf32, #tpu.memory_space<vmem>>
      %dma_wait3A_81 = arith.constant 0 : i32
      %dma_wait3A_82 = tpu.memref_slice %arg7[%add3A_20, %dma_wait3A_81] : memref<10240x64xf32, #tpu.memory_space<vmem_shared>> -> memref<128x64xf32, #tpu.memory_space<vmem_shared>>
      %dma_wait3A_83 = arith.constant 0 : i32
      %dma_wait3A_84 = tpu.memref_slice %arg7[%add3A_20, %dma_wait3A_83] : memref<10240x64xf32, #tpu.memory_space<vmem_shared>> -> memref<128x64xf32, #tpu.memory_space<vmem_shared>>
      %dma_wait3A_85 = arith.constant 0 : i32
      %dma_wait3A_86 = arith.constant 0 : i32
      %dma_wait3A_87 = tpu.memref_slice %arg8[%dma_wait3A_85, %dma_wait3A_86] : memref<128x64xf32, #tpu.memory_space<vmem>> -> memref<128x64xf32, #tpu.memory_space<vmem>>
      tpu.wait_dma2 semaphore(%run_scoped3A : memref<!tpu.dma_semaphore, #tpu.memory_space<semaphore_mem>>) src(%dma_wait3A_87 : memref<128x64xf32, #tpu.memory_space<vmem>>) dst(%dma_wait3A_84 : memref<128x64xf32, #tpu.memory_space<vmem_shared>>)
      tpu.yield
    }) : () -> ()
    %mul3A_21 = arith.constant 640 : i32
    %mul3A_22 = arith.muli %arg1, %mul3A_21 : i32
    %add3A_23 = arith.constant 384 : i32
    %add3A_24 = arith.addi %mul3A_22, %add3A_23 : i32
    "tpu.region"() ({
      %run_scoped3A = tpu.sem_alloc : memref<!tpu.dma_semaphore, #tpu.memory_space<semaphore_mem>>
      %dma_start3A_69 = arith.constant 0 : i32
      %dma_start3A_70 = arith.constant 0 : i32
      %dma_start3A_71 = tpu.memref_slice %arg8[%dma_start3A_69, %dma_start3A_70] : memref<128x64xf32, #tpu.memory_space<vmem>> -> memref<128x64xf32, #tpu.memory_space<vmem>>
      %dma_start3A_72 = arith.constant 0 : i32
      %dma_start3A_73 = tpu.memref_slice %arg7[%add3A_24, %dma_start3A_72] : memref<10240x64xf32, #tpu.memory_space<vmem_shared>> -> memref<128x64xf32, #tpu.memory_space<vmem_shared>>
      %dma_start3A_74 = arith.constant 0 : i32
      %dma_start3A_75 = tpu.memref_slice %arg7[%add3A_24, %dma_start3A_74] : memref<10240x64xf32, #tpu.memory_space<vmem_shared>> -> memref<128x64xf32, #tpu.memory_space<vmem_shared>>
      %dma_start3A_76 = arith.constant 0 : i32
      %dma_start3A_77 = arith.constant 0 : i32
      %dma_start3A_78 = tpu.memref_slice %arg8[%dma_start3A_76, %dma_start3A_77] : memref<128x64xf32, #tpu.memory_space<vmem>> -> memref<128x64xf32, #tpu.memory_space<vmem>>
      tpu.enqueue_dma source(%dma_start3A_78 : memref<128x64xf32, #tpu.memory_space<vmem>>) target(%dma_start3A_75 : memref<128x64xf32, #tpu.memory_space<vmem_shared>>) target_semaphore(%run_scoped3A : memref<!tpu.dma_semaphore, #tpu.memory_space<semaphore_mem>>)
      %dma_wait3A = arith.constant 0 : i32
      %dma_wait3A_79 = arith.constant 0 : i32
      %dma_wait3A_80 = tpu.memref_slice %arg8[%dma_wait3A, %dma_wait3A_79] : memref<128x64xf32, #tpu.memory_space<vmem>> -> memref<128x64xf32, #tpu.memory_space<vmem>>
      %dma_wait3A_81 = arith.constant 0 : i32
      %dma_wait3A_82 = tpu.memref_slice %arg7[%add3A_24, %dma_wait3A_81] : memref<10240x64xf32, #tpu.memory_space<vmem_shared>> -> memref<128x64xf32, #tpu.memory_space<vmem_shared>>
      %dma_wait3A_83 = arith.constant 0 : i32
      %dma_wait3A_84 = tpu.memref_slice %arg7[%add3A_24, %dma_wait3A_83] : memref<10240x64xf32, #tpu.memory_space<vmem_shared>> -> memref<128x64xf32, #tpu.memory_space<vmem_shared>>
      %dma_wait3A_85 = arith.constant 0 : i32
      %dma_wait3A_86 = arith.constant 0 : i32
      %dma_wait3A_87 = tpu.memref_slice %arg8[%dma_wait3A_85, %dma_wait3A_86] : memref<128x64xf32, #tpu.memory_space<vmem>> -> memref<128x64xf32, #tpu.memory_space<vmem>>
      tpu.wait_dma2 semaphore(%run_scoped3A : memref<!tpu.dma_semaphore, #tpu.memory_space<semaphore_mem>>) src(%dma_wait3A_87 : memref<128x64xf32, #tpu.memory_space<vmem>>) dst(%dma_wait3A_84 : memref<128x64xf32, #tpu.memory_space<vmem_shared>>)
      tpu.yield
    }) : () -> ()
    %mul3A_25 = arith.constant 640 : i32
    %mul3A_26 = arith.muli %arg1, %mul3A_25 : i32
    %add3A_27 = arith.constant 512 : i32
    %add3A_28 = arith.addi %mul3A_26, %add3A_27 : i32
    "tpu.region"() ({
      %run_scoped3A = tpu.sem_alloc : memref<!tpu.dma_semaphore, #tpu.memory_space<semaphore_mem>>
      %dma_start3A_69 = arith.constant 0 : i32
      %dma_start3A_70 = arith.constant 0 : i32
      %dma_start3A_71 = tpu.memref_slice %arg8[%dma_start3A_69, %dma_start3A_70] : memref<128x64xf32, #tpu.memory_space<vmem>> -> memref<128x64xf32, #tpu.memory_space<vmem>>
      %dma_start3A_72 = arith.constant 0 : i32
      %dma_start3A_73 = tpu.memref_slice %arg7[%add3A_28, %dma_start3A_72] : memref<10240x64xf32, #tpu.memory_space<vmem_shared>> -> memref<128x64xf32, #tpu.memory_space<vmem_shared>>
      %dma_start3A_74 = arith.constant 0 : i32
      %dma_start3A_75 = tpu.memref_slice %arg7[%add3A_28, %dma_start3A_74] : memref<10240x64xf32, #tpu.memory_space<vmem_shared>> -> memref<128x64xf32, #tpu.memory_space<vmem_shared>>
      %dma_start3A_76 = arith.constant 0 : i32
      %dma_start3A_77 = arith.constant 0 : i32
      %dma_start3A_78 = tpu.memref_slice %arg8[%dma_start3A_76, %dma_start3A_77] : memref<128x64xf32, #tpu.memory_space<vmem>> -> memref<128x64xf32, #tpu.memory_space<vmem>>
      tpu.enqueue_dma source(%dma_start3A_78 : memref<128x64xf32, #tpu.memory_space<vmem>>) target(%dma_start3A_75 : memref<128x64xf32, #tpu.memory_space<vmem_shared>>) target_semaphore(%run_scoped3A : memref<!tpu.dma_semaphore, #tpu.memory_space<semaphore_mem>>)
      %dma_wait3A = arith.constant 0 : i32
      %dma_wait3A_79 = arith.constant 0 : i32
      %dma_wait3A_80 = tpu.memref_slice %arg8[%dma_wait3A, %dma_wait3A_79] : memref<128x64xf32, #tpu.memory_space<vmem>> -> memref<128x64xf32, #tpu.memory_space<vmem>>
      %dma_wait3A_81 = arith.constant 0 : i32
      %dma_wait3A_82 = tpu.memref_slice %arg7[%add3A_28, %dma_wait3A_81] : memref<10240x64xf32, #tpu.memory_space<vmem_shared>> -> memref<128x64xf32, #tpu.memory_space<vmem_shared>>
      %dma_wait3A_83 = arith.constant 0 : i32
      %dma_wait3A_84 = tpu.memref_slice %arg7[%add3A_28, %dma_wait3A_83] : memref<10240x64xf32, #tpu.memory_space<vmem_shared>> -> memref<128x64xf32, #tpu.memory_space<vmem_shared>>
      %dma_wait3A_85 = arith.constant 0 : i32
      %dma_wait3A_86 = arith.constant 0 : i32
      %dma_wait3A_87 = tpu.memref_slice %arg8[%dma_wait3A_85, %dma_wait3A_86] : memref<128x64xf32, #tpu.memory_space<vmem>> -> memref<128x64xf32, #tpu.memory_space<vmem>>
      tpu.wait_dma2 semaphore(%run_scoped3A : memref<!tpu.dma_semaphore, #tpu.memory_space<semaphore_mem>>) src(%dma_wait3A_87 : memref<128x64xf32, #tpu.memory_space<vmem>>) dst(%dma_wait3A_84 : memref<128x64xf32, #tpu.memory_space<vmem_shared>>)
      tpu.yield
    }) : () -> ()
    %scan3A_29 = arith.constant 0 : i32
    %scan3A_30 = arith.constant 0 : i32
    %scan3A_31 = arith.constant 640 : i32
    %scan3A_32 = arith.addi %scan3A_30, %scan3A_31 : i32
    %scan3A_33 = arith.constant 1 : i32
    %scan3A_34 = scf.for %scan3A_69 = %scan3A_30 to %scan3A_32 step %scan3A_33 iter_args(%scan3A_70 = %scan3A_29) -> (i32)  : i32 {
      %mul3A_71 = arith.constant 16 : i32
      %mul3A_72 = arith.muli %scan3A_69, %mul3A_71 : i32
      %swap3A = arith.index_cast %mul3A_72 : i32 to index
      %swap3A_73 = tpu.vector_load %arg12[%swap3A] {strides = array<i32>} : memref<10240xf32, #tpu.memory_space<vmem>>, vector<16xf32>,
      tpu.vector_store %arg12[%swap3A], %broadcast_in_dim3A_1 {strides = array<i32>} : memref<10240xf32, #tpu.memory_space<vmem>>, vector<16xf32>,
      %scan3A_74 = arith.constant 0 : i32
      scf.yield %scan3A_74 : i32
    }
    %scan3A_35 = arith.constant 640 : i32
    "tpu.region"() ({
      %run_scoped3A = tpu.sem_alloc : memref<!tpu.dma_semaphore, #tpu.memory_space<semaphore_mem>>
      %dma_start3A_69 = arith.constant 0 : i32
      %dma_start3A_70 = tpu.memref_slice %arg3[%mul3A_0, %dma_start3A_69] : memref<2560x128xi32, #tpu.memory_space<hbm>> -> memref<160x128xi32, #tpu.memory_space<hbm>>
      %dma_start3A_71 = arith.constant 0 : i32
      %dma_start3A_72 = tpu.memref_slice %arg3[%mul3A_0, %dma_start3A_71] : memref<2560x128xi32, #tpu.memory_space<hbm>> -> memref<160x128xi32, #tpu.memory_space<hbm>>
      tpu.enqueue_dma source(%dma_start3A_72 : memref<160x128xi32, #tpu.memory_space<hbm>>) target(%arg10 : memref<160x128xi32, #tpu.memory_space<vmem>>) target_semaphore(%run_scoped3A : memref<!tpu.dma_semaphore, #tpu.memory_space<semaphore_mem>>)
      %dma_wait3A = arith.constant 0 : i32
      %dma_wait3A_73 = tpu.memref_slice %arg3[%mul3A_0, %dma_wait3A] : memref<2560x128xi32, #tpu.memory_space<hbm>> -> memref<160x128xi32, #tpu.memory_space<hbm>>
      %dma_wait3A_74 = arith.constant 0 : i32
      %dma_wait3A_75 = tpu.memref_slice %arg3[%mul3A_0, %dma_wait3A_74] : memref<2560x128xi32, #tpu.memory_space<hbm>> -> memref<160x128xi32, #tpu.memory_space<hbm>>
      tpu.wait_dma2 semaphore(%run_scoped3A : memref<!tpu.dma_semaphore, #tpu.memory_space<semaphore_mem>>) src(%dma_wait3A_75 : memref<160x128xi32, #tpu.memory_space<hbm>>) dst(%arg10 : memref<160x128xi32, #tpu.memory_space<vmem>>)
      tpu.yield
    }) : () -> ()
    "tpu.region"() ({
      %run_scoped3A = tpu.sem_alloc : memref<!tpu.dma_semaphore, #tpu.memory_space<semaphore_mem>>
      %dma_start3A_69 = arith.constant 0 : i32
      %dma_start3A_70 = tpu.memref_slice %arg4[%mul3A_0, %dma_start3A_69] : memref<2560x128xi32, #tpu.memory_space<hbm>> -> memref<160x128xi32, #tpu.memory_space<hbm>>
      %dma_start3A_71 = arith.constant 0 : i32
      %dma_start3A_72 = tpu.memref_slice %arg4[%mul3A_0, %dma_start3A_71] : memref<2560x128xi32, #tpu.memory_space<hbm>> -> memref<160x128xi32, #tpu.memory_space<hbm>>
      tpu.enqueue_dma source(%dma_start3A_72 : memref<160x128xi32, #tpu.memory_space<hbm>>) target(%arg11 : memref<160x128xi32, #tpu.memory_space<vmem>>) target_semaphore(%run_scoped3A : memref<!tpu.dma_semaphore, #tpu.memory_space<semaphore_mem>>)
      %dma_wait3A = arith.constant 0 : i32
      %dma_wait3A_73 = tpu.memref_slice %arg4[%mul3A_0, %dma_wait3A] : memref<2560x128xi32, #tpu.memory_space<hbm>> -> memref<160x128xi32, #tpu.memory_space<hbm>>
      %dma_wait3A_74 = arith.constant 0 : i32
      %dma_wait3A_75 = tpu.memref_slice %arg4[%mul3A_0, %dma_wait3A_74] : memref<2560x128xi32, #tpu.memory_space<hbm>> -> memref<160x128xi32, #tpu.memory_space<hbm>>
      tpu.wait_dma2 semaphore(%run_scoped3A : memref<!tpu.dma_semaphore, #tpu.memory_space<semaphore_mem>>) src(%dma_wait3A_75 : memref<160x128xi32, #tpu.memory_space<hbm>>) dst(%arg11 : memref<160x128xi32, #tpu.memory_space<vmem>>)
      tpu.yield
    }) : () -> ()
    %barrier3A = arith.constant 0 : index
    tpu.barrier barrier_id(%barrier3A)
    %dma_start3A = arith.constant 0 : i32
    %dma_start3A_36 = arith.constant 0 : i32
    %dma_start3A_37 = tpu.memref_slice %arg10[%dma_start3A, %dma_start3A_36] : memref<160x128xi32, #tpu.memory_space<vmem>> -> memref<1x128xi32, #tpu.memory_space<vmem>>
    %dma_start3A_38 = tpu.memref_squeeze %dma_start3A_37 : memref<1x128xi32, #tpu.memory_space<vmem>> -> memref<128xi32, #tpu.memory_space<vmem>>
    %dma_start3A_39 = arith.constant 0 : i32
    %dma_start3A_40 = arith.constant 0 : i32
    %dma_start3A_41 = tpu.memref_slice %arg2[%arg0, %dma_start3A_39, %dma_start3A_40] : memref<2x10000x64xf32, #tpu.memory_space<hbm>> -> memref<1x10000x64xf32, #tpu.memory_space<hbm>>
    %dma_start3A_42 = tpu.memref_squeeze %dma_start3A_41 : memref<1x10000x64xf32, #tpu.memory_space<hbm>> -> memref<10000x64xf32, #tpu.memory_space<hbm>>
    %dma_start3A_43 = arith.constant 0 : i32
    %dma_start3A_44 = arith.constant 0 : i32
    %dma_start3A_45 = tpu.memref_slice %dma_start3A_42[%dma_start3A_43, %dma_start3A_44] : memref<10000x64xf32, #tpu.memory_space<hbm>> -> memref<10000x64xf32, #tpu.memory_space<hbm>>
    tpu.enqueue_indirect_dma source(%dma_start3A_45 : memref<10000x64xf32, #tpu.memory_space<hbm>>) target(%arg8 : memref<128x64xf32, #tpu.memory_space<vmem>>) offsets(%dma_start3A_38 : memref<128xi32, #tpu.memory_space<vmem>>) semaphore(%arg13 : memref<!tpu.dma_semaphore, #tpu.memory_space<semaphore_mem>>)
    %dma_start3A_46 = arith.constant 1 : i32
    %dma_start3A_47 = arith.constant 0 : i32
    %dma_start3A_48 = tpu.memref_slice %arg10[%dma_start3A_46, %dma_start3A_47] : memref<160x128xi32, #tpu.memory_space<vmem>> -> memref<1x128xi32, #tpu.memory_space<vmem>>
    %dma_start3A_49 = tpu.memref_squeeze %dma_start3A_48 : memref<1x128xi32, #tpu.memory_space<vmem>> -> memref<128xi32, #tpu.memory_space<vmem>>
    %dma_start3A_50 = arith.constant 0 : i32
    %dma_start3A_51 = arith.constant 0 : i32
    %dma_start3A_52 = tpu.memref_slice %arg2[%arg0, %dma_start3A_50, %dma_start3A_51] : memref<2x10000x64xf32, #tpu.memory_space<hbm>> -> memref<1x10000x64xf32, #tpu.memory_space<hbm>>
    %dma_start3A_53 = tpu.memref_squeeze %dma_start3A_52 : memref<1x10000x64xf32, #tpu.memory_space<hbm>> -> memref<10000x64xf32, #tpu.memory_space<hbm>>
    %dma_start3A_54 = arith.constant 0 : i32
    %dma_start3A_55 = arith.constant 0 : i32
    %dma_start3A_56 = tpu.memref_slice %dma_start3A_53[%dma_start3A_54, %dma_start3A_55] : memref<10000x64xf32, #tpu.memory_space<hbm>> -> memref<10000x64xf32, #tpu.memory_space<hbm>>
    tpu.enqueue_indirect_dma source(%dma_start3A_56 : memref<10000x64xf32, #tpu.memory_space<hbm>>) target(%arg9 : memref<128x64xf32, #tpu.memory_space<vmem>>) offsets(%dma_start3A_49 : memref<128xi32, #tpu.memory_space<vmem>>) semaphore(%arg14 : memref<!tpu.dma_semaphore, #tpu.memory_space<semaphore_mem>>)
    %scan3A_57 = arith.constant 0 : i32
    %scan3A_58 = arith.constant 0 : i32
    %scan3A_59 = arith.constant 80 : i32
    %scan3A_60 = arith.addi %scan3A_58, %scan3A_59 : i32
    %scan3A_61 = arith.constant 1 : i32
    %scan3A_62 = scf.for %scan3A_69 = %scan3A_58 to %scan3A_60 step %scan3A_61 iter_args(%scan3A_70 = %scan3A_57) -> (i32)  : i32 {
      %mul3A_71 = arith.constant 2 : i32
      %mul3A_72 = arith.muli %mul3A_71, %scan3A_69 : i32
      %dma_wait3A = arith.constant 0 : i32
      %dma_wait3A_73 = tpu.memref_slice %arg10[%mul3A_72, %dma_wait3A] : memref<160x128xi32, #tpu.memory_space<vmem>> -> memref<1x128xi32, #tpu.memory_space<vmem>>
      %dma_wait3A_74 = tpu.memref_squeeze %dma_wait3A_73 : memref<1x128xi32, #tpu.memory_space<vmem>> -> memref<128xi32, #tpu.memory_space<vmem>>
      %dma_wait3A_75 = arith.constant 0 : i32
      %dma_wait3A_76 = arith.constant 0 : i32
      %dma_wait3A_77 = tpu.memref_slice %arg2[%arg0, %dma_wait3A_75, %dma_wait3A_76] : memref<2x10000x64xf32, #tpu.memory_space<hbm>> -> memref<1x10000x64xf32, #tpu.memory_space<hbm>>
      %dma_wait3A_78 = tpu.memref_squeeze %dma_wait3A_77 : memref<1x10000x64xf32, #tpu.memory_space<hbm>> -> memref<10000x64xf32, #tpu.memory_space<hbm>>
      %dma_wait3A_79 = arith.constant 0 : i32
      %dma_wait3A_80 = arith.constant 0 : i32
      %dma_wait3A_81 = tpu.memref_slice %dma_wait3A_78[%dma_wait3A_79, %dma_wait3A_80] : memref<10000x64xf32, #tpu.memory_space<hbm>> -> memref<10000x64xf32, #tpu.memory_space<hbm>>
      tpu.wait_indirect_dma semaphore(%arg13 : memref<!tpu.dma_semaphore, #tpu.memory_space<semaphore_mem>>) src(%dma_wait3A_81 : memref<10000x64xf32, #tpu.memory_space<hbm>>) dst(%arg8 : memref<128x64xf32, #tpu.memory_space<vmem>>)
      "tpu.region"() ({
        %run_scoped3A = tpu.sem_alloc : memref<!tpu.dma_semaphore, #tpu.memory_space<semaphore_mem>>
        %dma_start3A_113 = arith.constant 0 : i32
        %dma_start3A_114 = tpu.memref_slice %arg11[%mul3A_72, %dma_start3A_113] : memref<160x128xi32, #tpu.memory_space<vmem>> -> memref<1x128xi32, #tpu.memory_space<vmem>>
        %dma_start3A_115 = tpu.memref_squeeze %dma_start3A_114 : memref<1x128xi32, #tpu.memory_space<vmem>> -> memref<128xi32, #tpu.memory_space<vmem>>
        %dma_start3A_116 = arith.constant 0 : i32
        %dma_start3A_117 = arith.constant 0 : i32
        %dma_start3A_118 = tpu.memref_slice %arg7[%dma_start3A_116, %dma_start3A_117] : memref<10240x64xf32, #tpu.memory_space<vmem_shared>> -> memref<10240x64xf32, #tpu.memory_space<vmem_shared>>
        tpu.enqueue_indirect_dma source(%arg8 : memref<128x64xf32, #tpu.memory_space<vmem>>) target(%dma_start3A_118 : memref<10240x64xf32, #tpu.memory_space<vmem_shared>>) offsets(%dma_start3A_115 : memref<128xi32, #tpu.memory_space<vmem>>) semaphore(%run_scoped3A : memref<!tpu.dma_semaphore, #tpu.memory_space<semaphore_mem>>) {add = true}
        %dma_wait3A_119 = arith.constant 0 : i32
        %dma_wait3A_120 = tpu.memref_slice %arg11[%mul3A_72, %dma_wait3A_119] : memref<160x128xi32, #tpu.memory_space<vmem>> -> memref<1x128xi32, #tpu.memory_space<vmem>>
        %dma_wait3A_121 = tpu.memref_squeeze %dma_wait3A_120 : memref<1x128xi32, #tpu.memory_space<vmem>> -> memref<128xi32, #tpu.memory_space<vmem>>
        %dma_wait3A_122 = arith.constant 0 : i32
        %dma_wait3A_123 = arith.constant 0 : i32
        %dma_wait3A_124 = tpu.memref_slice %arg7[%dma_wait3A_122, %dma_wait3A_123] : memref<10240x64xf32, #tpu.memory_space<vmem_shared>> -> memref<10240x64xf32, #tpu.memory_space<vmem_shared>>
        tpu.wait_indirect_dma semaphore(%run_scoped3A : memref<!tpu.dma_semaphore, #tpu.memory_space<semaphore_mem>>) src(%arg8 : memref<128x64xf32, #tpu.memory_space<vmem>>) dst(%dma_wait3A_124 : memref<10240x64xf32, #tpu.memory_space<vmem_shared>>)
        tpu.yield
      }) : () -> ()
      %lt3A = arith.constant 79 : i32
      %lt3A_82 = arith.cmpi slt, %scan3A_69, %lt3A : i32
      %convert_element_type3A = arith.extui %lt3A_82 : i1 to i32
      %cond3A = arith.constant 0 : i32
      %cond3A_83 = arith.cmpi ne, %convert_element_type3A, %cond3A : i32
      scf.if %cond3A_83 {
        %add3A_113 = arith.constant 2 : i32
        %add3A_114 = arith.addi %mul3A_72, %add3A_113 : i32
        %dma_start3A_115 = arith.constant 0 : i32
        %dma_start3A_116 = tpu.memref_slice %arg10[%add3A_114, %dma_start3A_115] : memref<160x128xi32, #tpu.memory_space<vmem>> -> memref<1x128xi32, #tpu.memory_space<vmem>>
        %dma_start3A_117 = tpu.memref_squeeze %dma_start3A_116 : memref<1x128xi32, #tpu.memory_space<vmem>> -> memref<128xi32, #tpu.memory_space<vmem>>
        %dma_start3A_118 = arith.constant 0 : i32
        %dma_start3A_119 = arith.constant 0 : i32
        %dma_start3A_120 = tpu.memref_slice %arg2[%arg0, %dma_start3A_118, %dma_start3A_119] : memref<2x10000x64xf32, #tpu.memory_space<hbm>> -> memref<1x10000x64xf32, #tpu.memory_space<hbm>>
        %dma_start3A_121 = tpu.memref_squeeze %dma_start3A_120 : memref<1x10000x64xf32, #tpu.memory_space<hbm>> -> memref<10000x64xf32, #tpu.memory_space<hbm>>
        %dma_start3A_122 = arith.constant 0 : i32
        %dma_start3A_123 = arith.constant 0 : i32
        %dma_start3A_124 = tpu.memref_slice %dma_start3A_121[%dma_start3A_122, %dma_start3A_123] : memref<10000x64xf32, #tpu.memory_space<hbm>> -> memref<10000x64xf32, #tpu.memory_space<hbm>>
        tpu.enqueue_indirect_dma source(%dma_start3A_124 : memref<10000x64xf32, #tpu.memory_space<hbm>>) target(%arg8 : memref<128x64xf32, #tpu.memory_space<vmem>>) offsets(%dma_start3A_117 : memref<128xi32, #tpu.memory_space<vmem>>) semaphore(%arg13 : memref<!tpu.dma_semaphore, #tpu.memory_space<semaphore_mem>>)
      } else {
      }
      %eq3A = arith.constant 0 : i32
      %eq3A_84 = arith.cmpi eq, %arg0, %eq3A : i32
      %convert_element_type3A_85 = arith.extui %eq3A_84 : i1 to i32
      %cond3A_86 = arith.constant 0 : i32
      %cond3A_87 = arith.cmpi ne, %convert_element_type3A_85, %cond3A_86 : i32
      scf.if %cond3A_87 {
        %get3A = arith.index_cast %mul3A_72 : i32 to index
        %get3A_113 = arith.constant 0 : index
        %get3A_114 = tpu.vector_load %arg11[%get3A, %get3A_113] {strides = array<i32>} : memref<160x128xi32, #tpu.memory_space<vmem>>, vector<16xi32>,
        tpu.vector_store_idx %arg12[%get3A_114], %broadcast_in_dim3A_3 {add = true} : memref<10240xf32, #tpu.memory_space<vmem>>[vector<16xi32>], vector<16xf32>,
        %get3A_115 = arith.index_cast %mul3A_72 : i32 to index
        %get3A_116 = arith.constant 16 : index
        %get3A_117 = tpu.vector_load %arg11[%get3A_115, %get3A_116] {strides = array<i32>} : memref<160x128xi32, #tpu.memory_space<vmem>>, vector<16xi32>,
        tpu.vector_store_idx %arg12[%get3A_117], %broadcast_in_dim3A_3 {add = true} : memref<10240xf32, #tpu.memory_space<vmem>>[vector<16xi32>], vector<16xf32>,
        %get3A_118 = arith.index_cast %mul3A_72 : i32 to index
        %get3A_119 = arith.constant 32 : index
        %get3A_120 = tpu.vector_load %arg11[%get3A_118, %get3A_119] {strides = array<i32>} : memref<160x128xi32, #tpu.memory_space<vmem>>, vector<16xi32>,
        tpu.vector_store_idx %arg12[%get3A_120], %broadcast_in_dim3A_3 {add = true} : memref<10240xf32, #tpu.memory_space<vmem>>[vector<16xi32>], vector<16xf32>,
        %get3A_121 = arith.index_cast %mul3A_72 : i32 to index
        %get3A_122 = arith.constant 48 : index
        %get3A_123 = tpu.vector_load %arg11[%get3A_121, %get3A_122] {strides = array<i32>} : memref<160x128xi32, #tpu.memory_space<vmem>>, vector<16xi32>,
        tpu.vector_store_idx %arg12[%get3A_123], %broadcast_in_dim3A_3 {add = true} : memref<10240xf32, #tpu.memory_space<vmem>>[vector<16xi32>], vector<16xf32>,
        %get3A_124 = arith.index_cast %mul3A_72 : i32 to index
        %get3A_125 = arith.constant 64 : index
        %get3A_126 = tpu.vector_load %arg11[%get3A_124, %get3A_125] {strides = array<i32>} : memref<160x128xi32, #tpu.memory_space<vmem>>, vector<16xi32>,
        tpu.vector_store_idx %arg12[%get3A_126], %broadcast_in_dim3A_3 {add = true} : memref<10240xf32, #tpu.memory_space<vmem>>[vector<16xi32>], vector<16xf32>,
        %get3A_127 = arith.index_cast %mul3A_72 : i32 to index
        %get3A_128 = arith.constant 80 : index
        %get3A_129 = tpu.vector_load %arg11[%get3A_127, %get3A_128] {strides = array<i32>} : memref<160x128xi32, #tpu.memory_space<vmem>>, vector<16xi32>,
        tpu.vector_store_idx %arg12[%get3A_129], %broadcast_in_dim3A_3 {add = true} : memref<10240xf32, #tpu.memory_space<vmem>>[vector<16xi32>], vector<16xf32>,
        %get3A_130 = arith.index_cast %mul3A_72 : i32 to index
        %get3A_131 = arith.constant 96 : index
        %get3A_132 = tpu.vector_load %arg11[%get3A_130, %get3A_131] {strides = array<i32>} : memref<160x128xi32, #tpu.memory_space<vmem>>, vector<16xi32>,
        tpu.vector_store_idx %arg12[%get3A_132], %broadcast_in_dim3A_3 {add = true} : memref<10240xf32, #tpu.memory_space<vmem>>[vector<16xi32>], vector<16xf32>,
        %get3A_133 = arith.index_cast %mul3A_72 : i32 to index
        %get3A_134 = arith.constant 112 : index
        %get3A_135 = tpu.vector_load %arg11[%get3A_133, %get3A_134] {strides = array<i32>} : memref<160x128xi32, #tpu.memory_space<vmem>>, vector<16xi32>,
        tpu.vector_store_idx %arg12[%get3A_135], %broadcast_in_dim3A_3 {add = true} : memref<10240xf32, #tpu.memory_space<vmem>>[vector<16xi32>], vector<16xf32>,
      } else {
      }
      %mul3A_88 = arith.constant 2 : i32
      %mul3A_89 = arith.muli %mul3A_88, %scan3A_69 : i32
      %add3A_90 = arith.constant 1 : i32
      %add3A_91 = arith.addi %mul3A_89, %add3A_90 : i32
      %dma_wait3A_92 = arith.constant 0 : i32
      %dma_wait3A_93 = tpu.memref_slice %arg10[%add3A_91, %dma_wait3A_92] : memref<160x128xi32, #tpu.memory_space<vmem>> -> memref<1x128xi32, #tpu.memory_space<vmem>>
      %dma_wait3A_94 = tpu.memref_squeeze %dma_wait3A_93 : memref<1x128xi32, #tpu.memory_space<vmem>> -> memref<128xi32, #tpu.memory_space<vmem>>
      %dma_wait3A_95 = arith.constant 0 : i32
      %dma_wait3A_96 = arith.constant 0 : i32
      %dma_wait3A_97 = tpu.memref_slice %arg2[%arg0, %dma_wait3A_95, %dma_wait3A_96] : memref<2x10000x64xf32, #tpu.memory_space<hbm>> -> memref<1x10000x64xf32, #tpu.memory_space<hbm>>
      %dma_wait3A_98 = tpu.memref_squeeze %dma_wait3A_97 : memref<1x10000x64xf32, #tpu.memory_space<hbm>> -> memref<10000x64xf32, #tpu.memory_space<hbm>>
      %dma_wait3A_99 = arith.constant 0 : i32
      %dma_wait3A_100 = arith.constant 0 : i32
      %dma_wait3A_101 = tpu.memref_slice %dma_wait3A_98[%dma_wait3A_99, %dma_wait3A_100] : memref<10000x64xf32, #tpu.memory_space<hbm>> -> memref<10000x64xf32, #tpu.memory_space<hbm>>
      tpu.wait_indirect_dma semaphore(%arg14 : memref<!tpu.dma_semaphore, #tpu.memory_space<semaphore_mem>>) src(%dma_wait3A_101 : memref<10000x64xf32, #tpu.memory_space<hbm>>) dst(%arg9 : memref<128x64xf32, #tpu.memory_space<vmem>>)
      "tpu.region"() ({
        %run_scoped3A = tpu.sem_alloc : memref<!tpu.dma_semaphore, #tpu.memory_space<semaphore_mem>>
        %dma_start3A_113 = arith.constant 0 : i32
        %dma_start3A_114 = tpu.memref_slice %arg11[%add3A_91, %dma_start3A_113] : memref<160x128xi32, #tpu.memory_space<vmem>> -> memref<1x128xi32, #tpu.memory_space<vmem>>
        %dma_start3A_115 = tpu.memref_squeeze %dma_start3A_114 : memref<1x128xi32, #tpu.memory_space<vmem>> -> memref<128xi32, #tpu.memory_space<vmem>>
        %dma_start3A_116 = arith.constant 0 : i32
        %dma_start3A_117 = arith.constant 0 : i32
        %dma_start3A_118 = tpu.memref_slice %arg7[%dma_start3A_116, %dma_start3A_117] : memref<10240x64xf32, #tpu.memory_space<vmem_shared>> -> memref<10240x64xf32, #tpu.memory_space<vmem_shared>>
        tpu.enqueue_indirect_dma source(%arg9 : memref<128x64xf32, #tpu.memory_space<vmem>>) target(%dma_start3A_118 : memref<10240x64xf32, #tpu.memory_space<vmem_shared>>) offsets(%dma_start3A_115 : memref<128xi32, #tpu.memory_space<vmem>>) semaphore(%run_scoped3A : memref<!tpu.dma_semaphore, #tpu.memory_space<semaphore_mem>>) {add = true}
        %dma_wait3A_119 = arith.constant 0 : i32
        %dma_wait3A_120 = tpu.memref_slice %arg11[%add3A_91, %dma_wait3A_119] : memref<160x128xi32, #tpu.memory_space<vmem>> -> memref<1x128xi32, #tpu.memory_space<vmem>>
        %dma_wait3A_121 = tpu.memref_squeeze %dma_wait3A_120 : memref<1x128xi32, #tpu.memory_space<vmem>> -> memref<128xi32, #tpu.memory_space<vmem>>
        %dma_wait3A_122 = arith.constant 0 : i32
        %dma_wait3A_123 = arith.constant 0 : i32
        %dma_wait3A_124 = tpu.memref_slice %arg7[%dma_wait3A_122, %dma_wait3A_123] : memref<10240x64xf32, #tpu.memory_space<vmem_shared>> -> memref<10240x64xf32, #tpu.memory_space<vmem_shared>>
        tpu.wait_indirect_dma semaphore(%run_scoped3A : memref<!tpu.dma_semaphore, #tpu.memory_space<semaphore_mem>>) src(%arg9 : memref<128x64xf32, #tpu.memory_space<vmem>>) dst(%dma_wait3A_124 : memref<10240x64xf32, #tpu.memory_space<vmem_shared>>)
        tpu.yield
      }) : () -> ()
      %lt3A_102 = arith.constant 79 : i32
      %lt3A_103 = arith.cmpi slt, %scan3A_69, %lt3A_102 : i32
      %convert_element_type3A_104 = arith.extui %lt3A_103 : i1 to i32
      %cond3A_105 = arith.constant 0 : i32
      %cond3A_106 = arith.cmpi ne, %convert_element_type3A_104, %cond3A_105 : i32
      scf.if %cond3A_106 {
        %add3A_113 = arith.constant 2 : i32
        %add3A_114 = arith.addi %add3A_91, %add3A_113 : i32
        %dma_start3A_115 = arith.constant 0 : i32
        %dma_start3A_116 = tpu.memref_slice %arg10[%add3A_114, %dma_start3A_115] : memref<160x128xi32, #tpu.memory_space<vmem>> -> memref<1x128xi32, #tpu.memory_space<vmem>>
        %dma_start3A_117 = tpu.memref_squeeze %dma_start3A_116 : memref<1x128xi32, #tpu.memory_space<vmem>> -> memref<128xi32, #tpu.memory_space<vmem>>
        %dma_start3A_118 = arith.constant 0 : i32
        %dma_start3A_119 = arith.constant 0 : i32
        %dma_start3A_120 = tpu.memref_slice %arg2[%arg0, %dma_start3A_118, %dma_start3A_119] : memref<2x10000x64xf32, #tpu.memory_space<hbm>> -> memref<1x10000x64xf32, #tpu.memory_space<hbm>>
        %dma_start3A_121 = tpu.memref_squeeze %dma_start3A_120 : memref<1x10000x64xf32, #tpu.memory_space<hbm>> -> memref<10000x64xf32, #tpu.memory_space<hbm>>
        %dma_start3A_122 = arith.constant 0 : i32
        %dma_start3A_123 = arith.constant 0 : i32
        %dma_start3A_124 = tpu.memref_slice %dma_start3A_121[%dma_start3A_122, %dma_start3A_123] : memref<10000x64xf32, #tpu.memory_space<hbm>> -> memref<10000x64xf32, #tpu.memory_space<hbm>>
        tpu.enqueue_indirect_dma source(%dma_start3A_124 : memref<10000x64xf32, #tpu.memory_space<hbm>>) target(%arg9 : memref<128x64xf32, #tpu.memory_space<vmem>>) offsets(%dma_start3A_117 : memref<128xi32, #tpu.memory_space<vmem>>) semaphore(%arg14 : memref<!tpu.dma_semaphore, #tpu.memory_space<semaphore_mem>>)
      } else {
      }
      %eq3A_107 = arith.constant 1 : i32
      %eq3A_108 = arith.cmpi eq, %arg0, %eq3A_107 : i32
      %convert_element_type3A_109 = arith.extui %eq3A_108 : i1 to i32
      %cond3A_110 = arith.constant 0 : i32
      %cond3A_111 = arith.cmpi ne, %convert_element_type3A_109, %cond3A_110 : i32
      scf.if %cond3A_111 {
        %get3A = arith.index_cast %add3A_91 : i32 to index
        %get3A_113 = arith.constant 0 : index
        %get3A_114 = tpu.vector_load %arg11[%get3A, %get3A_113] {strides = array<i32>} : memref<160x128xi32, #tpu.memory_space<vmem>>, vector<16xi32>,
        tpu.vector_store_idx %arg12[%get3A_114], %broadcast_in_dim3A_3 {add = true} : memref<10240xf32, #tpu.memory_space<vmem>>[vector<16xi32>], vector<16xf32>,
        %get3A_115 = arith.index_cast %add3A_91 : i32 to index
        %get3A_116 = arith.constant 16 : index
        %get3A_117 = tpu.vector_load %arg11[%get3A_115, %get3A_116] {strides = array<i32>} : memref<160x128xi32, #tpu.memory_space<vmem>>, vector<16xi32>,
        tpu.vector_store_idx %arg12[%get3A_117], %broadcast_in_dim3A_3 {add = true} : memref<10240xf32, #tpu.memory_space<vmem>>[vector<16xi32>], vector<16xf32>,
        %get3A_118 = arith.index_cast %add3A_91 : i32 to index
        %get3A_119 = arith.constant 32 : index
        %get3A_120 = tpu.vector_load %arg11[%get3A_118, %get3A_119] {strides = array<i32>} : memref<160x128xi32, #tpu.memory_space<vmem>>, vector<16xi32>,
        tpu.vector_store_idx %arg12[%get3A_120], %broadcast_in_dim3A_3 {add = true} : memref<10240xf32, #tpu.memory_space<vmem>>[vector<16xi32>], vector<16xf32>,
        %get3A_121 = arith.index_cast %add3A_91 : i32 to index
        %get3A_122 = arith.constant 48 : index
        %get3A_123 = tpu.vector_load %arg11[%get3A_121, %get3A_122] {strides = array<i32>} : memref<160x128xi32, #tpu.memory_space<vmem>>, vector<16xi32>,
        tpu.vector_store_idx %arg12[%get3A_123], %broadcast_in_dim3A_3 {add = true} : memref<10240xf32, #tpu.memory_space<vmem>>[vector<16xi32>], vector<16xf32>,
        %get3A_124 = arith.index_cast %add3A_91 : i32 to index
        %get3A_125 = arith.constant 64 : index
        %get3A_126 = tpu.vector_load %arg11[%get3A_124, %get3A_125] {strides = array<i32>} : memref<160x128xi32, #tpu.memory_space<vmem>>, vector<16xi32>,
        tpu.vector_store_idx %arg12[%get3A_126], %broadcast_in_dim3A_3 {add = true} : memref<10240xf32, #tpu.memory_space<vmem>>[vector<16xi32>], vector<16xf32>,
        %get3A_127 = arith.index_cast %add3A_91 : i32 to index
        %get3A_128 = arith.constant 80 : index
        %get3A_129 = tpu.vector_load %arg11[%get3A_127, %get3A_128] {strides = array<i32>} : memref<160x128xi32, #tpu.memory_space<vmem>>, vector<16xi32>,
        tpu.vector_store_idx %arg12[%get3A_129], %broadcast_in_dim3A_3 {add = true} : memref<10240xf32, #tpu.memory_space<vmem>>[vector<16xi32>], vector<16xf32>,
        %get3A_130 = arith.index_cast %add3A_91 : i32 to index
        %get3A_131 = arith.constant 96 : index
        %get3A_132 = tpu.vector_load %arg11[%get3A_130, %get3A_131] {strides = array<i32>} : memref<160x128xi32, #tpu.memory_space<vmem>>, vector<16xi32>,
        tpu.vector_store_idx %arg12[%get3A_132], %broadcast_in_dim3A_3 {add = true} : memref<10240xf32, #tpu.memory_space<vmem>>[vector<16xi32>], vector<16xf32>,
        %get3A_133 = arith.index_cast %add3A_91 : i32 to index
        %get3A_134 = arith.constant 112 : index
        %get3A_135 = tpu.vector_load %arg11[%get3A_133, %get3A_134] {strides = array<i32>} : memref<160x128xi32, #tpu.memory_space<vmem>>, vector<16xi32>,
        tpu.vector_store_idx %arg12[%get3A_135], %broadcast_in_dim3A_3 {add = true} : memref<10240xf32, #tpu.memory_space<vmem>>[vector<16xi32>], vector<16xf32>,
      } else {
      }
      %scan3A_112 = arith.constant 0 : i32
      scf.yield %scan3A_112 : i32
    }
    %scan3A_63 = arith.constant 80 : i32
    %barrier3A_64 = arith.constant 0 : index
    tpu.barrier barrier_id(%barrier3A_64)
    %mul3A_65 = arith.constant 640 : i32
    %mul3A_66 = arith.muli %arg1, %mul3A_65 : i32
    %mul3A_67 = arith.constant 640 : i32
    %mul3A_68 = arith.muli %arg1, %mul3A_67 : i32
    "tpu.region"() ({
      %run_scoped3A = tpu.sem_alloc : memref<!tpu.dma_semaphore, #tpu.memory_space<semaphore_mem>>
      %dma_start3A_69 = arith.constant 0 : i32
      %dma_start3A_70 = tpu.memref_slice %arg5[%arg0, %mul3A_68, %dma_start3A_69] : memref<2x10240x64xf32, #tpu.memory_space<hbm>> -> memref<1x640x64xf32, #tpu.memory_space<hbm>>
      %dma_start3A_71 = tpu.memref_squeeze %dma_start3A_70 : memref<1x640x64xf32, #tpu.memory_space<hbm>> -> memref<640x64xf32, #tpu.memory_space<hbm>>
      %dma_start3A_72 = arith.constant 0 : i32
      %dma_start3A_73 = tpu.memref_slice %arg7[%mul3A_66, %dma_start3A_72] : memref<10240x64xf32, #tpu.memory_space<vmem_shared>> -> memref<640x64xf32, #tpu.memory_space<vmem_shared>>
      tpu.enqueue_dma source(%dma_start3A_73 : memref<640x64xf32, #tpu.memory_space<vmem_shared>>) target(%dma_start3A_71 : memref<640x64xf32, #tpu.memory_space<hbm>>) target_semaphore(%run_scoped3A : memref<!tpu.dma_semaphore, #tpu.memory_space<semaphore_mem>>)
      %dma_wait3A = arith.constant 0 : i32
      %dma_wait3A_74 = tpu.memref_slice %arg5[%arg0, %mul3A_68, %dma_wait3A] : memref<2x10240x64xf32, #tpu.memory_space<hbm>> -> memref<1x640x64xf32, #tpu.memory_space<hbm>>
      %dma_wait3A_75 = tpu.memref_squeeze %dma_wait3A_74 : memref<1x640x64xf32, #tpu.memory_space<hbm>> -> memref<640x64xf32, #tpu.memory_space<hbm>>
      %dma_wait3A_76 = arith.constant 0 : i32
      %dma_wait3A_77 = tpu.memref_slice %arg7[%mul3A_66, %dma_wait3A_76] : memref<10240x64xf32, #tpu.memory_space<vmem_shared>> -> memref<640x64xf32, #tpu.memory_space<vmem_shared>>
      tpu.wait_dma2 semaphore(%run_scoped3A : memref<!tpu.dma_semaphore, #tpu.memory_space<semaphore_mem>>) src(%dma_wait3A_77 : memref<640x64xf32, #tpu.memory_space<vmem_shared>>) dst(%dma_wait3A_75 : memref<640x64xf32, #tpu.memory_space<hbm>>)
      tpu.yield
    }) : () -> ()
    "tpu.region"() ({
      %run_scoped3A = tpu.sem_alloc : memref<!tpu.dma_semaphore, #tpu.memory_space<semaphore_mem>>
      %dma_start3A_69 = arith.constant 0 : i32
      %dma_start3A_70 = tpu.memref_slice %arg6[%arg0, %arg1, %dma_start3A_69] : memref<2x16x10240xf32, #tpu.memory_space<hbm>> -> memref<1x1x10240xf32, #tpu.memory_space<hbm>>
      %dma_start3A_71 = tpu.memref_squeeze %dma_start3A_70 : memref<1x1x10240xf32, #tpu.memory_space<hbm>> -> memref<10240xf32, #tpu.memory_space<hbm>>
      %dma_start3A_72 = arith.constant 0 : i32
      %dma_start3A_73 = tpu.memref_slice %arg6[%arg0, %arg1, %dma_start3A_72] : memref<2x16x10240xf32, #tpu.memory_space<hbm>> -> memref<1x1x10240xf32, #tpu.memory_space<hbm>>
      %dma_start3A_74 = tpu.memref_squeeze %dma_start3A_73 : memref<1x1x10240xf32, #tpu.memory_space<hbm>> -> memref<10240xf32, #tpu.memory_space<hbm>>
      tpu.enqueue_dma source(%arg12 : memref<10240xf32, #tpu.memory_space<vmem>>) target(%dma_start3A_74 : memref<10240xf32, #tpu.memory_space<hbm>>) target_semaphore(%run_scoped3A : memref<!tpu.dma_semaphore, #tpu.memory_space<semaphore_mem>>)
      %dma_wait3A = arith.constant 0 : i32
      %dma_wait3A_75 = tpu.memref_slice %arg6[%arg0, %arg1, %dma_wait3A] : memref<2x16x10240xf32, #tpu.memory_space<hbm>> -> memref<1x1x10240xf32, #tpu.memory_space<hbm>>
      %dma_wait3A_76 = tpu.memref_squeeze %dma_wait3A_75 : memref<1x1x10240xf32, #tpu.memory_space<hbm>> -> memref<10240xf32, #tpu.memory_space<hbm>>
      %dma_wait3A_77 = arith.constant 0 : i32
      %dma_wait3A_78 = tpu.memref_slice %arg6[%arg0, %arg1, %dma_wait3A_77] : memref<2x16x10240xf32, #tpu.memory_space<hbm>> -> memref<1x1x10240xf32, #tpu.memory_space<hbm>>
      %dma_wait3A_79 = tpu.memref_squeeze %dma_wait3A_78 : memref<1x1x10240xf32, #tpu.memory_space<hbm>> -> memref<10240xf32, #tpu.memory_space<hbm>>
      tpu.wait_dma2 semaphore(%run_scoped3A : memref<!tpu.dma_semaphore, #tpu.memory_space<semaphore_mem>>) src(%arg12 : memref<10240xf32, #tpu.memory_space<vmem>>) dst(%dma_wait3A_79 : memref<10240xf32, #tpu.memory_space<hbm>>)
      tpu.yield
    }) : () -> ()
    return
  }
}

#map = affine_map<(d0, d1) -> (0, 0, 0)>
#map1 = affine_map<(d0, d1) -> (0, 0)>
module attributes {stable_mosaic.version = 14 : i64} {
  func.func @_sc_aggregate(%arg0: i32, %arg1: i32, %arg2: memref<2x10000x64xf32, #tpu.memory_space<hbm>>, %arg3: memref<2560x128xi32, #tpu.memory_space<hbm>>, %arg4: memref<2560x128xi32, #tpu.memory_space<hbm>>, %arg5: memref<2x10240x64xf32, #tpu.memory_space<hbm>>, %arg6: memref<10240x64xf32, #tpu.memory_space<vmem_shared>>, %arg7: memref<128x64xf32, #tpu.memory_space<vmem>>, %arg8: memref<128x64xf32, #tpu.memory_space<vmem>>, %arg9: memref<160x128xi32, #tpu.memory_space<vmem>>, %arg10: memref<160x128xi32, #tpu.memory_space<vmem>>, %arg11: memref<!tpu.dma_semaphore, #tpu.memory_space<semaphore_mem>>, %arg12: memref<!tpu.dma_semaphore, #tpu.memory_space<semaphore_mem>>) attributes {dimension_semantics = [#tpu.dimension_semantics<core_parallel>, #tpu.dimension_semantics<subcore_parallel>], iteration_bounds = array<i64: 2, 16>, scalar_prefetch = 0 : i64, scratch_operands = 7 : i64, tpu.core_type = #tpu.core_type<sc_vector_subcore>, window_params = [{transform_indices = #map}, {transform_indices = #map1}, {transform_indices = #map1}, {transform_indices = #map}]} {
    %mul3A = arith.constant 160 : i32
    %mul3A_0 = arith.muli %arg1, %mul3A : i32
    %broadcast_in_dim3A = arith.constant 0.000000e+00 : f32
    %broadcast_in_dim3A_1 = vector.broadcast %broadcast_in_dim3A : f32 to vector<16xf32>
    %broadcast_in_dim3A_2 = arith.constant 1.000000e+00 : f32
    %broadcast_in_dim3A_3 = vector.broadcast %broadcast_in_dim3A_2 : f32 to vector<16xf32>
    %scan3A = arith.constant 0 : i32
    %scan3A_4 = arith.constant 0 : i32
    %scan3A_5 = arith.constant 128 : i32
    %scan3A_6 = arith.addi %scan3A_4, %scan3A_5 : i32
    %scan3A_7 = arith.constant 1 : i32
    %scan3A_8 = scf.for %scan3A_62 = %scan3A_4 to %scan3A_6 step %scan3A_7 iter_args(%scan3A_63 = %scan3A) -> (i32)  : i32 {
      %swap3A = arith.index_cast %scan3A_62 : i32 to index
      %swap3A_64 = arith.constant 0 : index
      %swap3A_65 = tpu.vector_load %arg7[%swap3A, %swap3A_64] {strides = array<i32>} : memref<128x64xf32, #tpu.memory_space<vmem>>, vector<16xf32>,
      tpu.vector_store %arg7[%swap3A, %swap3A_64], %broadcast_in_dim3A_1 {strides = array<i32>} : memref<128x64xf32, #tpu.memory_space<vmem>>, vector<16xf32>,
      %swap3A_66 = arith.index_cast %scan3A_62 : i32 to index
      %swap3A_67 = arith.constant 16 : index
      %swap3A_68 = tpu.vector_load %arg7[%swap3A_66, %swap3A_67] {strides = array<i32>} : memref<128x64xf32, #tpu.memory_space<vmem>>, vector<16xf32>,
      tpu.vector_store %arg7[%swap3A_66, %swap3A_67], %broadcast_in_dim3A_1 {strides = array<i32>} : memref<128x64xf32, #tpu.memory_space<vmem>>, vector<16xf32>,
      %swap3A_69 = arith.index_cast %scan3A_62 : i32 to index
      %swap3A_70 = arith.constant 32 : index
      %swap3A_71 = tpu.vector_load %arg7[%swap3A_69, %swap3A_70] {strides = array<i32>} : memref<128x64xf32, #tpu.memory_space<vmem>>, vector<16xf32>,
      tpu.vector_store %arg7[%swap3A_69, %swap3A_70], %broadcast_in_dim3A_1 {strides = array<i32>} : memref<128x64xf32, #tpu.memory_space<vmem>>, vector<16xf32>,
      %swap3A_72 = arith.index_cast %scan3A_62 : i32 to index
      %swap3A_73 = arith.constant 48 : index
      %swap3A_74 = tpu.vector_load %arg7[%swap3A_72, %swap3A_73] {strides = array<i32>} : memref<128x64xf32, #tpu.memory_space<vmem>>, vector<16xf32>,
      tpu.vector_store %arg7[%swap3A_72, %swap3A_73], %broadcast_in_dim3A_1 {strides = array<i32>} : memref<128x64xf32, #tpu.memory_space<vmem>>, vector<16xf32>,
      %scan3A_75 = arith.constant 0 : i32
      scf.yield %scan3A_75 : i32
    }
    %scan3A_9 = arith.constant 128 : i32
    %mul3A_10 = arith.constant 640 : i32
    %mul3A_11 = arith.muli %arg1, %mul3A_10 : i32
    %add3A = arith.constant 0 : i32
    %add3A_12 = arith.addi %mul3A_11, %add3A : i32
    "tpu.region"() ({
      %run_scoped3A = tpu.sem_alloc : memref<!tpu.dma_semaphore, #tpu.memory_space<semaphore_mem>>
      %dma_start3A_62 = arith.constant 0 : i32
      %dma_start3A_63 = arith.constant 0 : i32
      %dma_start3A_64 = tpu.memref_slice %arg7[%dma_start3A_62, %dma_start3A_63] : memref<128x64xf32, #tpu.memory_space<vmem>> -> memref<128x64xf32, #tpu.memory_space<vmem>>
      %dma_start3A_65 = arith.constant 0 : i32
      %dma_start3A_66 = tpu.memref_slice %arg6[%add3A_12, %dma_start3A_65] : memref<10240x64xf32, #tpu.memory_space<vmem_shared>> -> memref<128x64xf32, #tpu.memory_space<vmem_shared>>
      %dma_start3A_67 = arith.constant 0 : i32
      %dma_start3A_68 = tpu.memref_slice %arg6[%add3A_12, %dma_start3A_67] : memref<10240x64xf32, #tpu.memory_space<vmem_shared>> -> memref<128x64xf32, #tpu.memory_space<vmem_shared>>
      %dma_start3A_69 = arith.constant 0 : i32
      %dma_start3A_70 = arith.constant 0 : i32
      %dma_start3A_71 = tpu.memref_slice %arg7[%dma_start3A_69, %dma_start3A_70] : memref<128x64xf32, #tpu.memory_space<vmem>> -> memref<128x64xf32, #tpu.memory_space<vmem>>
      tpu.enqueue_dma source(%dma_start3A_71 : memref<128x64xf32, #tpu.memory_space<vmem>>) target(%dma_start3A_68 : memref<128x64xf32, #tpu.memory_space<vmem_shared>>) target_semaphore(%run_scoped3A : memref<!tpu.dma_semaphore, #tpu.memory_space<semaphore_mem>>)
      %dma_wait3A = arith.constant 0 : i32
      %dma_wait3A_72 = arith.constant 0 : i32
      %dma_wait3A_73 = tpu.memref_slice %arg7[%dma_wait3A, %dma_wait3A_72] : memref<128x64xf32, #tpu.memory_space<vmem>> -> memref<128x64xf32, #tpu.memory_space<vmem>>
      %dma_wait3A_74 = arith.constant 0 : i32
      %dma_wait3A_75 = tpu.memref_slice %arg6[%add3A_12, %dma_wait3A_74] : memref<10240x64xf32, #tpu.memory_space<vmem_shared>> -> memref<128x64xf32, #tpu.memory_space<vmem_shared>>
      %dma_wait3A_76 = arith.constant 0 : i32
      %dma_wait3A_77 = tpu.memref_slice %arg6[%add3A_12, %dma_wait3A_76] : memref<10240x64xf32, #tpu.memory_space<vmem_shared>> -> memref<128x64xf32, #tpu.memory_space<vmem_shared>>
      %dma_wait3A_78 = arith.constant 0 : i32
      %dma_wait3A_79 = arith.constant 0 : i32
      %dma_wait3A_80 = tpu.memref_slice %arg7[%dma_wait3A_78, %dma_wait3A_79] : memref<128x64xf32, #tpu.memory_space<vmem>> -> memref<128x64xf32, #tpu.memory_space<vmem>>
      tpu.wait_dma2 semaphore(%run_scoped3A : memref<!tpu.dma_semaphore, #tpu.memory_space<semaphore_mem>>) src(%dma_wait3A_80 : memref<128x64xf32, #tpu.memory_space<vmem>>) dst(%dma_wait3A_77 : memref<128x64xf32, #tpu.memory_space<vmem_shared>>)
      tpu.yield
    }) : () -> ()
    %mul3A_13 = arith.constant 640 : i32
    %mul3A_14 = arith.muli %arg1, %mul3A_13 : i32
    %add3A_15 = arith.constant 128 : i32
    %add3A_16 = arith.addi %mul3A_14, %add3A_15 : i32
    "tpu.region"() ({
      %run_scoped3A = tpu.sem_alloc : memref<!tpu.dma_semaphore, #tpu.memory_space<semaphore_mem>>
      %dma_start3A_62 = arith.constant 0 : i32
      %dma_start3A_63 = arith.constant 0 : i32
      %dma_start3A_64 = tpu.memref_slice %arg7[%dma_start3A_62, %dma_start3A_63] : memref<128x64xf32, #tpu.memory_space<vmem>> -> memref<128x64xf32, #tpu.memory_space<vmem>>
      %dma_start3A_65 = arith.constant 0 : i32
      %dma_start3A_66 = tpu.memref_slice %arg6[%add3A_16, %dma_start3A_65] : memref<10240x64xf32, #tpu.memory_space<vmem_shared>> -> memref<128x64xf32, #tpu.memory_space<vmem_shared>>
      %dma_start3A_67 = arith.constant 0 : i32
      %dma_start3A_68 = tpu.memref_slice %arg6[%add3A_16, %dma_start3A_67] : memref<10240x64xf32, #tpu.memory_space<vmem_shared>> -> memref<128x64xf32, #tpu.memory_space<vmem_shared>>
      %dma_start3A_69 = arith.constant 0 : i32
      %dma_start3A_70 = arith.constant 0 : i32
      %dma_start3A_71 = tpu.memref_slice %arg7[%dma_start3A_69, %dma_start3A_70] : memref<128x64xf32, #tpu.memory_space<vmem>> -> memref<128x64xf32, #tpu.memory_space<vmem>>
      tpu.enqueue_dma source(%dma_start3A_71 : memref<128x64xf32, #tpu.memory_space<vmem>>) target(%dma_start3A_68 : memref<128x64xf32, #tpu.memory_space<vmem_shared>>) target_semaphore(%run_scoped3A : memref<!tpu.dma_semaphore, #tpu.memory_space<semaphore_mem>>)
      %dma_wait3A = arith.constant 0 : i32
      %dma_wait3A_72 = arith.constant 0 : i32
      %dma_wait3A_73 = tpu.memref_slice %arg7[%dma_wait3A, %dma_wait3A_72] : memref<128x64xf32, #tpu.memory_space<vmem>> -> memref<128x64xf32, #tpu.memory_space<vmem>>
      %dma_wait3A_74 = arith.constant 0 : i32
      %dma_wait3A_75 = tpu.memref_slice %arg6[%add3A_16, %dma_wait3A_74] : memref<10240x64xf32, #tpu.memory_space<vmem_shared>> -> memref<128x64xf32, #tpu.memory_space<vmem_shared>>
      %dma_wait3A_76 = arith.constant 0 : i32
      %dma_wait3A_77 = tpu.memref_slice %arg6[%add3A_16, %dma_wait3A_76] : memref<10240x64xf32, #tpu.memory_space<vmem_shared>> -> memref<128x64xf32, #tpu.memory_space<vmem_shared>>
      %dma_wait3A_78 = arith.constant 0 : i32
      %dma_wait3A_79 = arith.constant 0 : i32
      %dma_wait3A_80 = tpu.memref_slice %arg7[%dma_wait3A_78, %dma_wait3A_79] : memref<128x64xf32, #tpu.memory_space<vmem>> -> memref<128x64xf32, #tpu.memory_space<vmem>>
      tpu.wait_dma2 semaphore(%run_scoped3A : memref<!tpu.dma_semaphore, #tpu.memory_space<semaphore_mem>>) src(%dma_wait3A_80 : memref<128x64xf32, #tpu.memory_space<vmem>>) dst(%dma_wait3A_77 : memref<128x64xf32, #tpu.memory_space<vmem_shared>>)
      tpu.yield
    }) : () -> ()
    %mul3A_17 = arith.constant 640 : i32
    %mul3A_18 = arith.muli %arg1, %mul3A_17 : i32
    %add3A_19 = arith.constant 256 : i32
    %add3A_20 = arith.addi %mul3A_18, %add3A_19 : i32
    "tpu.region"() ({
      %run_scoped3A = tpu.sem_alloc : memref<!tpu.dma_semaphore, #tpu.memory_space<semaphore_mem>>
      %dma_start3A_62 = arith.constant 0 : i32
      %dma_start3A_63 = arith.constant 0 : i32
      %dma_start3A_64 = tpu.memref_slice %arg7[%dma_start3A_62, %dma_start3A_63] : memref<128x64xf32, #tpu.memory_space<vmem>> -> memref<128x64xf32, #tpu.memory_space<vmem>>
      %dma_start3A_65 = arith.constant 0 : i32
      %dma_start3A_66 = tpu.memref_slice %arg6[%add3A_20, %dma_start3A_65] : memref<10240x64xf32, #tpu.memory_space<vmem_shared>> -> memref<128x64xf32, #tpu.memory_space<vmem_shared>>
      %dma_start3A_67 = arith.constant 0 : i32
      %dma_start3A_68 = tpu.memref_slice %arg6[%add3A_20, %dma_start3A_67] : memref<10240x64xf32, #tpu.memory_space<vmem_shared>> -> memref<128x64xf32, #tpu.memory_space<vmem_shared>>
      %dma_start3A_69 = arith.constant 0 : i32
      %dma_start3A_70 = arith.constant 0 : i32
      %dma_start3A_71 = tpu.memref_slice %arg7[%dma_start3A_69, %dma_start3A_70] : memref<128x64xf32, #tpu.memory_space<vmem>> -> memref<128x64xf32, #tpu.memory_space<vmem>>
      tpu.enqueue_dma source(%dma_start3A_71 : memref<128x64xf32, #tpu.memory_space<vmem>>) target(%dma_start3A_68 : memref<128x64xf32, #tpu.memory_space<vmem_shared>>) target_semaphore(%run_scoped3A : memref<!tpu.dma_semaphore, #tpu.memory_space<semaphore_mem>>)
      %dma_wait3A = arith.constant 0 : i32
      %dma_wait3A_72 = arith.constant 0 : i32
      %dma_wait3A_73 = tpu.memref_slice %arg7[%dma_wait3A, %dma_wait3A_72] : memref<128x64xf32, #tpu.memory_space<vmem>> -> memref<128x64xf32, #tpu.memory_space<vmem>>
      %dma_wait3A_74 = arith.constant 0 : i32
      %dma_wait3A_75 = tpu.memref_slice %arg6[%add3A_20, %dma_wait3A_74] : memref<10240x64xf32, #tpu.memory_space<vmem_shared>> -> memref<128x64xf32, #tpu.memory_space<vmem_shared>>
      %dma_wait3A_76 = arith.constant 0 : i32
      %dma_wait3A_77 = tpu.memref_slice %arg6[%add3A_20, %dma_wait3A_76] : memref<10240x64xf32, #tpu.memory_space<vmem_shared>> -> memref<128x64xf32, #tpu.memory_space<vmem_shared>>
      %dma_wait3A_78 = arith.constant 0 : i32
      %dma_wait3A_79 = arith.constant 0 : i32
      %dma_wait3A_80 = tpu.memref_slice %arg7[%dma_wait3A_78, %dma_wait3A_79] : memref<128x64xf32, #tpu.memory_space<vmem>> -> memref<128x64xf32, #tpu.memory_space<vmem>>
      tpu.wait_dma2 semaphore(%run_scoped3A : memref<!tpu.dma_semaphore, #tpu.memory_space<semaphore_mem>>) src(%dma_wait3A_80 : memref<128x64xf32, #tpu.memory_space<vmem>>) dst(%dma_wait3A_77 : memref<128x64xf32, #tpu.memory_space<vmem_shared>>)
      tpu.yield
    }) : () -> ()
    %mul3A_21 = arith.constant 640 : i32
    %mul3A_22 = arith.muli %arg1, %mul3A_21 : i32
    %add3A_23 = arith.constant 384 : i32
    %add3A_24 = arith.addi %mul3A_22, %add3A_23 : i32
    "tpu.region"() ({
      %run_scoped3A = tpu.sem_alloc : memref<!tpu.dma_semaphore, #tpu.memory_space<semaphore_mem>>
      %dma_start3A_62 = arith.constant 0 : i32
      %dma_start3A_63 = arith.constant 0 : i32
      %dma_start3A_64 = tpu.memref_slice %arg7[%dma_start3A_62, %dma_start3A_63] : memref<128x64xf32, #tpu.memory_space<vmem>> -> memref<128x64xf32, #tpu.memory_space<vmem>>
      %dma_start3A_65 = arith.constant 0 : i32
      %dma_start3A_66 = tpu.memref_slice %arg6[%add3A_24, %dma_start3A_65] : memref<10240x64xf32, #tpu.memory_space<vmem_shared>> -> memref<128x64xf32, #tpu.memory_space<vmem_shared>>
      %dma_start3A_67 = arith.constant 0 : i32
      %dma_start3A_68 = tpu.memref_slice %arg6[%add3A_24, %dma_start3A_67] : memref<10240x64xf32, #tpu.memory_space<vmem_shared>> -> memref<128x64xf32, #tpu.memory_space<vmem_shared>>
      %dma_start3A_69 = arith.constant 0 : i32
      %dma_start3A_70 = arith.constant 0 : i32
      %dma_start3A_71 = tpu.memref_slice %arg7[%dma_start3A_69, %dma_start3A_70] : memref<128x64xf32, #tpu.memory_space<vmem>> -> memref<128x64xf32, #tpu.memory_space<vmem>>
      tpu.enqueue_dma source(%dma_start3A_71 : memref<128x64xf32, #tpu.memory_space<vmem>>) target(%dma_start3A_68 : memref<128x64xf32, #tpu.memory_space<vmem_shared>>) target_semaphore(%run_scoped3A : memref<!tpu.dma_semaphore, #tpu.memory_space<semaphore_mem>>)
      %dma_wait3A = arith.constant 0 : i32
      %dma_wait3A_72 = arith.constant 0 : i32
      %dma_wait3A_73 = tpu.memref_slice %arg7[%dma_wait3A, %dma_wait3A_72] : memref<128x64xf32, #tpu.memory_space<vmem>> -> memref<128x64xf32, #tpu.memory_space<vmem>>
      %dma_wait3A_74 = arith.constant 0 : i32
      %dma_wait3A_75 = tpu.memref_slice %arg6[%add3A_24, %dma_wait3A_74] : memref<10240x64xf32, #tpu.memory_space<vmem_shared>> -> memref<128x64xf32, #tpu.memory_space<vmem_shared>>
      %dma_wait3A_76 = arith.constant 0 : i32
      %dma_wait3A_77 = tpu.memref_slice %arg6[%add3A_24, %dma_wait3A_76] : memref<10240x64xf32, #tpu.memory_space<vmem_shared>> -> memref<128x64xf32, #tpu.memory_space<vmem_shared>>
      %dma_wait3A_78 = arith.constant 0 : i32
      %dma_wait3A_79 = arith.constant 0 : i32
      %dma_wait3A_80 = tpu.memref_slice %arg7[%dma_wait3A_78, %dma_wait3A_79] : memref<128x64xf32, #tpu.memory_space<vmem>> -> memref<128x64xf32, #tpu.memory_space<vmem>>
      tpu.wait_dma2 semaphore(%run_scoped3A : memref<!tpu.dma_semaphore, #tpu.memory_space<semaphore_mem>>) src(%dma_wait3A_80 : memref<128x64xf32, #tpu.memory_space<vmem>>) dst(%dma_wait3A_77 : memref<128x64xf32, #tpu.memory_space<vmem_shared>>)
      tpu.yield
    }) : () -> ()
    %mul3A_25 = arith.constant 640 : i32
    %mul3A_26 = arith.muli %arg1, %mul3A_25 : i32
    %add3A_27 = arith.constant 512 : i32
    %add3A_28 = arith.addi %mul3A_26, %add3A_27 : i32
    "tpu.region"() ({
      %run_scoped3A = tpu.sem_alloc : memref<!tpu.dma_semaphore, #tpu.memory_space<semaphore_mem>>
      %dma_start3A_62 = arith.constant 0 : i32
      %dma_start3A_63 = arith.constant 0 : i32
      %dma_start3A_64 = tpu.memref_slice %arg7[%dma_start3A_62, %dma_start3A_63] : memref<128x64xf32, #tpu.memory_space<vmem>> -> memref<128x64xf32, #tpu.memory_space<vmem>>
      %dma_start3A_65 = arith.constant 0 : i32
      %dma_start3A_66 = tpu.memref_slice %arg6[%add3A_28, %dma_start3A_65] : memref<10240x64xf32, #tpu.memory_space<vmem_shared>> -> memref<128x64xf32, #tpu.memory_space<vmem_shared>>
      %dma_start3A_67 = arith.constant 0 : i32
      %dma_start3A_68 = tpu.memref_slice %arg6[%add3A_28, %dma_start3A_67] : memref<10240x64xf32, #tpu.memory_space<vmem_shared>> -> memref<128x64xf32, #tpu.memory_space<vmem_shared>>
      %dma_start3A_69 = arith.constant 0 : i32
      %dma_start3A_70 = arith.constant 0 : i32
      %dma_start3A_71 = tpu.memref_slice %arg7[%dma_start3A_69, %dma_start3A_70] : memref<128x64xf32, #tpu.memory_space<vmem>> -> memref<128x64xf32, #tpu.memory_space<vmem>>
      tpu.enqueue_dma source(%dma_start3A_71 : memref<128x64xf32, #tpu.memory_space<vmem>>) target(%dma_start3A_68 : memref<128x64xf32, #tpu.memory_space<vmem_shared>>) target_semaphore(%run_scoped3A : memref<!tpu.dma_semaphore, #tpu.memory_space<semaphore_mem>>)
      %dma_wait3A = arith.constant 0 : i32
      %dma_wait3A_72 = arith.constant 0 : i32
      %dma_wait3A_73 = tpu.memref_slice %arg7[%dma_wait3A, %dma_wait3A_72] : memref<128x64xf32, #tpu.memory_space<vmem>> -> memref<128x64xf32, #tpu.memory_space<vmem>>
      %dma_wait3A_74 = arith.constant 0 : i32
      %dma_wait3A_75 = tpu.memref_slice %arg6[%add3A_28, %dma_wait3A_74] : memref<10240x64xf32, #tpu.memory_space<vmem_shared>> -> memref<128x64xf32, #tpu.memory_space<vmem_shared>>
      %dma_wait3A_76 = arith.constant 0 : i32
      %dma_wait3A_77 = tpu.memref_slice %arg6[%add3A_28, %dma_wait3A_76] : memref<10240x64xf32, #tpu.memory_space<vmem_shared>> -> memref<128x64xf32, #tpu.memory_space<vmem_shared>>
      %dma_wait3A_78 = arith.constant 0 : i32
      %dma_wait3A_79 = arith.constant 0 : i32
      %dma_wait3A_80 = tpu.memref_slice %arg7[%dma_wait3A_78, %dma_wait3A_79] : memref<128x64xf32, #tpu.memory_space<vmem>> -> memref<128x64xf32, #tpu.memory_space<vmem>>
      tpu.wait_dma2 semaphore(%run_scoped3A : memref<!tpu.dma_semaphore, #tpu.memory_space<semaphore_mem>>) src(%dma_wait3A_80 : memref<128x64xf32, #tpu.memory_space<vmem>>) dst(%dma_wait3A_77 : memref<128x64xf32, #tpu.memory_space<vmem_shared>>)
      tpu.yield
    }) : () -> ()
    "tpu.region"() ({
      %run_scoped3A = tpu.sem_alloc : memref<!tpu.dma_semaphore, #tpu.memory_space<semaphore_mem>>
      %dma_start3A_62 = arith.constant 0 : i32
      %dma_start3A_63 = tpu.memref_slice %arg3[%mul3A_0, %dma_start3A_62] : memref<2560x128xi32, #tpu.memory_space<hbm>> -> memref<160x128xi32, #tpu.memory_space<hbm>>
      %dma_start3A_64 = arith.constant 0 : i32
      %dma_start3A_65 = tpu.memref_slice %arg3[%mul3A_0, %dma_start3A_64] : memref<2560x128xi32, #tpu.memory_space<hbm>> -> memref<160x128xi32, #tpu.memory_space<hbm>>
      tpu.enqueue_dma source(%dma_start3A_65 : memref<160x128xi32, #tpu.memory_space<hbm>>) target(%arg9 : memref<160x128xi32, #tpu.memory_space<vmem>>) target_semaphore(%run_scoped3A : memref<!tpu.dma_semaphore, #tpu.memory_space<semaphore_mem>>)
      %dma_wait3A = arith.constant 0 : i32
      %dma_wait3A_66 = tpu.memref_slice %arg3[%mul3A_0, %dma_wait3A] : memref<2560x128xi32, #tpu.memory_space<hbm>> -> memref<160x128xi32, #tpu.memory_space<hbm>>
      %dma_wait3A_67 = arith.constant 0 : i32
      %dma_wait3A_68 = tpu.memref_slice %arg3[%mul3A_0, %dma_wait3A_67] : memref<2560x128xi32, #tpu.memory_space<hbm>> -> memref<160x128xi32, #tpu.memory_space<hbm>>
      tpu.wait_dma2 semaphore(%run_scoped3A : memref<!tpu.dma_semaphore, #tpu.memory_space<semaphore_mem>>) src(%dma_wait3A_68 : memref<160x128xi32, #tpu.memory_space<hbm>>) dst(%arg9 : memref<160x128xi32, #tpu.memory_space<vmem>>)
      tpu.yield
    }) : () -> ()
    "tpu.region"() ({
      %run_scoped3A = tpu.sem_alloc : memref<!tpu.dma_semaphore, #tpu.memory_space<semaphore_mem>>
      %dma_start3A_62 = arith.constant 0 : i32
      %dma_start3A_63 = tpu.memref_slice %arg4[%mul3A_0, %dma_start3A_62] : memref<2560x128xi32, #tpu.memory_space<hbm>> -> memref<160x128xi32, #tpu.memory_space<hbm>>
      %dma_start3A_64 = arith.constant 0 : i32
      %dma_start3A_65 = tpu.memref_slice %arg4[%mul3A_0, %dma_start3A_64] : memref<2560x128xi32, #tpu.memory_space<hbm>> -> memref<160x128xi32, #tpu.memory_space<hbm>>
      tpu.enqueue_dma source(%dma_start3A_65 : memref<160x128xi32, #tpu.memory_space<hbm>>) target(%arg10 : memref<160x128xi32, #tpu.memory_space<vmem>>) target_semaphore(%run_scoped3A : memref<!tpu.dma_semaphore, #tpu.memory_space<semaphore_mem>>)
      %dma_wait3A = arith.constant 0 : i32
      %dma_wait3A_66 = tpu.memref_slice %arg4[%mul3A_0, %dma_wait3A] : memref<2560x128xi32, #tpu.memory_space<hbm>> -> memref<160x128xi32, #tpu.memory_space<hbm>>
      %dma_wait3A_67 = arith.constant 0 : i32
      %dma_wait3A_68 = tpu.memref_slice %arg4[%mul3A_0, %dma_wait3A_67] : memref<2560x128xi32, #tpu.memory_space<hbm>> -> memref<160x128xi32, #tpu.memory_space<hbm>>
      tpu.wait_dma2 semaphore(%run_scoped3A : memref<!tpu.dma_semaphore, #tpu.memory_space<semaphore_mem>>) src(%dma_wait3A_68 : memref<160x128xi32, #tpu.memory_space<hbm>>) dst(%arg10 : memref<160x128xi32, #tpu.memory_space<vmem>>)
      tpu.yield
    }) : () -> ()
    %barrier3A = arith.constant 0 : index
    tpu.barrier barrier_id(%barrier3A)
    %dma_start3A = arith.constant 0 : i32
    %dma_start3A_29 = arith.constant 0 : i32
    %dma_start3A_30 = tpu.memref_slice %arg9[%dma_start3A, %dma_start3A_29] : memref<160x128xi32, #tpu.memory_space<vmem>> -> memref<1x128xi32, #tpu.memory_space<vmem>>
    %dma_start3A_31 = tpu.memref_squeeze %dma_start3A_30 : memref<1x128xi32, #tpu.memory_space<vmem>> -> memref<128xi32, #tpu.memory_space<vmem>>
    %dma_start3A_32 = arith.constant 0 : i32
    %dma_start3A_33 = arith.constant 0 : i32
    %dma_start3A_34 = tpu.memref_slice %arg2[%arg0, %dma_start3A_32, %dma_start3A_33] : memref<2x10000x64xf32, #tpu.memory_space<hbm>> -> memref<1x10000x64xf32, #tpu.memory_space<hbm>>
    %dma_start3A_35 = tpu.memref_squeeze %dma_start3A_34 : memref<1x10000x64xf32, #tpu.memory_space<hbm>> -> memref<10000x64xf32, #tpu.memory_space<hbm>>
    %dma_start3A_36 = arith.constant 0 : i32
    %dma_start3A_37 = arith.constant 0 : i32
    %dma_start3A_38 = tpu.memref_slice %dma_start3A_35[%dma_start3A_36, %dma_start3A_37] : memref<10000x64xf32, #tpu.memory_space<hbm>> -> memref<10000x64xf32, #tpu.memory_space<hbm>>
    tpu.enqueue_indirect_dma source(%dma_start3A_38 : memref<10000x64xf32, #tpu.memory_space<hbm>>) target(%arg7 : memref<128x64xf32, #tpu.memory_space<vmem>>) offsets(%dma_start3A_31 : memref<128xi32, #tpu.memory_space<vmem>>) semaphore(%arg11 : memref<!tpu.dma_semaphore, #tpu.memory_space<semaphore_mem>>)
    %dma_start3A_39 = arith.constant 1 : i32
    %dma_start3A_40 = arith.constant 0 : i32
    %dma_start3A_41 = tpu.memref_slice %arg9[%dma_start3A_39, %dma_start3A_40] : memref<160x128xi32, #tpu.memory_space<vmem>> -> memref<1x128xi32, #tpu.memory_space<vmem>>
    %dma_start3A_42 = tpu.memref_squeeze %dma_start3A_41 : memref<1x128xi32, #tpu.memory_space<vmem>> -> memref<128xi32, #tpu.memory_space<vmem>>
    %dma_start3A_43 = arith.constant 0 : i32
    %dma_start3A_44 = arith.constant 0 : i32
    %dma_start3A_45 = tpu.memref_slice %arg2[%arg0, %dma_start3A_43, %dma_start3A_44] : memref<2x10000x64xf32, #tpu.memory_space<hbm>> -> memref<1x10000x64xf32, #tpu.memory_space<hbm>>
    %dma_start3A_46 = tpu.memref_squeeze %dma_start3A_45 : memref<1x10000x64xf32, #tpu.memory_space<hbm>> -> memref<10000x64xf32, #tpu.memory_space<hbm>>
    %dma_start3A_47 = arith.constant 0 : i32
    %dma_start3A_48 = arith.constant 0 : i32
    %dma_start3A_49 = tpu.memref_slice %dma_start3A_46[%dma_start3A_47, %dma_start3A_48] : memref<10000x64xf32, #tpu.memory_space<hbm>> -> memref<10000x64xf32, #tpu.memory_space<hbm>>
    tpu.enqueue_indirect_dma source(%dma_start3A_49 : memref<10000x64xf32, #tpu.memory_space<hbm>>) target(%arg8 : memref<128x64xf32, #tpu.memory_space<vmem>>) offsets(%dma_start3A_42 : memref<128xi32, #tpu.memory_space<vmem>>) semaphore(%arg12 : memref<!tpu.dma_semaphore, #tpu.memory_space<semaphore_mem>>)
    %scan3A_50 = arith.constant 0 : i32
    %scan3A_51 = arith.constant 0 : i32
    %scan3A_52 = arith.constant 80 : i32
    %scan3A_53 = arith.addi %scan3A_51, %scan3A_52 : i32
    %scan3A_54 = arith.constant 1 : i32
    %scan3A_55 = scf.for %scan3A_62 = %scan3A_51 to %scan3A_53 step %scan3A_54 iter_args(%scan3A_63 = %scan3A_50) -> (i32)  : i32 {
      %mul3A_64 = arith.constant 2 : i32
      %mul3A_65 = arith.muli %mul3A_64, %scan3A_62 : i32
      %dma_wait3A = arith.constant 0 : i32
      %dma_wait3A_66 = tpu.memref_slice %arg9[%mul3A_65, %dma_wait3A] : memref<160x128xi32, #tpu.memory_space<vmem>> -> memref<1x128xi32, #tpu.memory_space<vmem>>
      %dma_wait3A_67 = tpu.memref_squeeze %dma_wait3A_66 : memref<1x128xi32, #tpu.memory_space<vmem>> -> memref<128xi32, #tpu.memory_space<vmem>>
      %dma_wait3A_68 = arith.constant 0 : i32
      %dma_wait3A_69 = arith.constant 0 : i32
      %dma_wait3A_70 = tpu.memref_slice %arg2[%arg0, %dma_wait3A_68, %dma_wait3A_69] : memref<2x10000x64xf32, #tpu.memory_space<hbm>> -> memref<1x10000x64xf32, #tpu.memory_space<hbm>>
      %dma_wait3A_71 = tpu.memref_squeeze %dma_wait3A_70 : memref<1x10000x64xf32, #tpu.memory_space<hbm>> -> memref<10000x64xf32, #tpu.memory_space<hbm>>
      %dma_wait3A_72 = arith.constant 0 : i32
      %dma_wait3A_73 = arith.constant 0 : i32
      %dma_wait3A_74 = tpu.memref_slice %dma_wait3A_71[%dma_wait3A_72, %dma_wait3A_73] : memref<10000x64xf32, #tpu.memory_space<hbm>> -> memref<10000x64xf32, #tpu.memory_space<hbm>>
      tpu.wait_indirect_dma semaphore(%arg11 : memref<!tpu.dma_semaphore, #tpu.memory_space<semaphore_mem>>) src(%dma_wait3A_74 : memref<10000x64xf32, #tpu.memory_space<hbm>>) dst(%arg7 : memref<128x64xf32, #tpu.memory_space<vmem>>)
      "tpu.region"() ({
        %run_scoped3A = tpu.sem_alloc : memref<!tpu.dma_semaphore, #tpu.memory_space<semaphore_mem>>
        %dma_start3A_97 = arith.constant 0 : i32
        %dma_start3A_98 = tpu.memref_slice %arg10[%mul3A_65, %dma_start3A_97] : memref<160x128xi32, #tpu.memory_space<vmem>> -> memref<1x128xi32, #tpu.memory_space<vmem>>
        %dma_start3A_99 = tpu.memref_squeeze %dma_start3A_98 : memref<1x128xi32, #tpu.memory_space<vmem>> -> memref<128xi32, #tpu.memory_space<vmem>>
        %dma_start3A_100 = arith.constant 0 : i32
        %dma_start3A_101 = arith.constant 0 : i32
        %dma_start3A_102 = tpu.memref_slice %arg6[%dma_start3A_100, %dma_start3A_101] : memref<10240x64xf32, #tpu.memory_space<vmem_shared>> -> memref<10240x64xf32, #tpu.memory_space<vmem_shared>>
        tpu.enqueue_indirect_dma source(%arg7 : memref<128x64xf32, #tpu.memory_space<vmem>>) target(%dma_start3A_102 : memref<10240x64xf32, #tpu.memory_space<vmem_shared>>) offsets(%dma_start3A_99 : memref<128xi32, #tpu.memory_space<vmem>>) semaphore(%run_scoped3A : memref<!tpu.dma_semaphore, #tpu.memory_space<semaphore_mem>>) {add = true}
        %dma_wait3A_103 = arith.constant 0 : i32
        %dma_wait3A_104 = tpu.memref_slice %arg10[%mul3A_65, %dma_wait3A_103] : memref<160x128xi32, #tpu.memory_space<vmem>> -> memref<1x128xi32, #tpu.memory_space<vmem>>
        %dma_wait3A_105 = tpu.memref_squeeze %dma_wait3A_104 : memref<1x128xi32, #tpu.memory_space<vmem>> -> memref<128xi32, #tpu.memory_space<vmem>>
        %dma_wait3A_106 = arith.constant 0 : i32
        %dma_wait3A_107 = arith.constant 0 : i32
        %dma_wait3A_108 = tpu.memref_slice %arg6[%dma_wait3A_106, %dma_wait3A_107] : memref<10240x64xf32, #tpu.memory_space<vmem_shared>> -> memref<10240x64xf32, #tpu.memory_space<vmem_shared>>
        tpu.wait_indirect_dma semaphore(%run_scoped3A : memref<!tpu.dma_semaphore, #tpu.memory_space<semaphore_mem>>) src(%arg7 : memref<128x64xf32, #tpu.memory_space<vmem>>) dst(%dma_wait3A_108 : memref<10240x64xf32, #tpu.memory_space<vmem_shared>>)
        tpu.yield
      }) : () -> ()
      %lt3A = arith.constant 79 : i32
      %lt3A_75 = arith.cmpi slt, %scan3A_62, %lt3A : i32
      %convert_element_type3A = arith.extui %lt3A_75 : i1 to i32
      %cond3A = arith.constant 0 : i32
      %cond3A_76 = arith.cmpi ne, %convert_element_type3A, %cond3A : i32
      scf.if %cond3A_76 {
        %add3A_97 = arith.constant 2 : i32
        %add3A_98 = arith.addi %mul3A_65, %add3A_97 : i32
        %dma_start3A_99 = arith.constant 0 : i32
        %dma_start3A_100 = tpu.memref_slice %arg9[%add3A_98, %dma_start3A_99] : memref<160x128xi32, #tpu.memory_space<vmem>> -> memref<1x128xi32, #tpu.memory_space<vmem>>
        %dma_start3A_101 = tpu.memref_squeeze %dma_start3A_100 : memref<1x128xi32, #tpu.memory_space<vmem>> -> memref<128xi32, #tpu.memory_space<vmem>>
        %dma_start3A_102 = arith.constant 0 : i32
        %dma_start3A_103 = arith.constant 0 : i32
        %dma_start3A_104 = tpu.memref_slice %arg2[%arg0, %dma_start3A_102, %dma_start3A_103] : memref<2x10000x64xf32, #tpu.memory_space<hbm>> -> memref<1x10000x64xf32, #tpu.memory_space<hbm>>
        %dma_start3A_105 = tpu.memref_squeeze %dma_start3A_104 : memref<1x10000x64xf32, #tpu.memory_space<hbm>> -> memref<10000x64xf32, #tpu.memory_space<hbm>>
        %dma_start3A_106 = arith.constant 0 : i32
        %dma_start3A_107 = arith.constant 0 : i32
        %dma_start3A_108 = tpu.memref_slice %dma_start3A_105[%dma_start3A_106, %dma_start3A_107] : memref<10000x64xf32, #tpu.memory_space<hbm>> -> memref<10000x64xf32, #tpu.memory_space<hbm>>
        tpu.enqueue_indirect_dma source(%dma_start3A_108 : memref<10000x64xf32, #tpu.memory_space<hbm>>) target(%arg7 : memref<128x64xf32, #tpu.memory_space<vmem>>) offsets(%dma_start3A_101 : memref<128xi32, #tpu.memory_space<vmem>>) semaphore(%arg11 : memref<!tpu.dma_semaphore, #tpu.memory_space<semaphore_mem>>)
      } else {
      }
      %mul3A_77 = arith.constant 2 : i32
      %mul3A_78 = arith.muli %mul3A_77, %scan3A_62 : i32
      %add3A_79 = arith.constant 1 : i32
      %add3A_80 = arith.addi %mul3A_78, %add3A_79 : i32
      %dma_wait3A_81 = arith.constant 0 : i32
      %dma_wait3A_82 = tpu.memref_slice %arg9[%add3A_80, %dma_wait3A_81] : memref<160x128xi32, #tpu.memory_space<vmem>> -> memref<1x128xi32, #tpu.memory_space<vmem>>
      %dma_wait3A_83 = tpu.memref_squeeze %dma_wait3A_82 : memref<1x128xi32, #tpu.memory_space<vmem>> -> memref<128xi32, #tpu.memory_space<vmem>>
      %dma_wait3A_84 = arith.constant 0 : i32
      %dma_wait3A_85 = arith.constant 0 : i32
      %dma_wait3A_86 = tpu.memref_slice %arg2[%arg0, %dma_wait3A_84, %dma_wait3A_85] : memref<2x10000x64xf32, #tpu.memory_space<hbm>> -> memref<1x10000x64xf32, #tpu.memory_space<hbm>>
      %dma_wait3A_87 = tpu.memref_squeeze %dma_wait3A_86 : memref<1x10000x64xf32, #tpu.memory_space<hbm>> -> memref<10000x64xf32, #tpu.memory_space<hbm>>
      %dma_wait3A_88 = arith.constant 0 : i32
      %dma_wait3A_89 = arith.constant 0 : i32
      %dma_wait3A_90 = tpu.memref_slice %dma_wait3A_87[%dma_wait3A_88, %dma_wait3A_89] : memref<10000x64xf32, #tpu.memory_space<hbm>> -> memref<10000x64xf32, #tpu.memory_space<hbm>>
      tpu.wait_indirect_dma semaphore(%arg12 : memref<!tpu.dma_semaphore, #tpu.memory_space<semaphore_mem>>) src(%dma_wait3A_90 : memref<10000x64xf32, #tpu.memory_space<hbm>>) dst(%arg8 : memref<128x64xf32, #tpu.memory_space<vmem>>)
      "tpu.region"() ({
        %run_scoped3A = tpu.sem_alloc : memref<!tpu.dma_semaphore, #tpu.memory_space<semaphore_mem>>
        %dma_start3A_97 = arith.constant 0 : i32
        %dma_start3A_98 = tpu.memref_slice %arg10[%add3A_80, %dma_start3A_97] : memref<160x128xi32, #tpu.memory_space<vmem>> -> memref<1x128xi32, #tpu.memory_space<vmem>>
        %dma_start3A_99 = tpu.memref_squeeze %dma_start3A_98 : memref<1x128xi32, #tpu.memory_space<vmem>> -> memref<128xi32, #tpu.memory_space<vmem>>
        %dma_start3A_100 = arith.constant 0 : i32
        %dma_start3A_101 = arith.constant 0 : i32
        %dma_start3A_102 = tpu.memref_slice %arg6[%dma_start3A_100, %dma_start3A_101] : memref<10240x64xf32, #tpu.memory_space<vmem_shared>> -> memref<10240x64xf32, #tpu.memory_space<vmem_shared>>
        tpu.enqueue_indirect_dma source(%arg8 : memref<128x64xf32, #tpu.memory_space<vmem>>) target(%dma_start3A_102 : memref<10240x64xf32, #tpu.memory_space<vmem_shared>>) offsets(%dma_start3A_99 : memref<128xi32, #tpu.memory_space<vmem>>) semaphore(%run_scoped3A : memref<!tpu.dma_semaphore, #tpu.memory_space<semaphore_mem>>) {add = true}
        %dma_wait3A_103 = arith.constant 0 : i32
        %dma_wait3A_104 = tpu.memref_slice %arg10[%add3A_80, %dma_wait3A_103] : memref<160x128xi32, #tpu.memory_space<vmem>> -> memref<1x128xi32, #tpu.memory_space<vmem>>
        %dma_wait3A_105 = tpu.memref_squeeze %dma_wait3A_104 : memref<1x128xi32, #tpu.memory_space<vmem>> -> memref<128xi32, #tpu.memory_space<vmem>>
        %dma_wait3A_106 = arith.constant 0 : i32
        %dma_wait3A_107 = arith.constant 0 : i32
        %dma_wait3A_108 = tpu.memref_slice %arg6[%dma_wait3A_106, %dma_wait3A_107] : memref<10240x64xf32, #tpu.memory_space<vmem_shared>> -> memref<10240x64xf32, #tpu.memory_space<vmem_shared>>
        tpu.wait_indirect_dma semaphore(%run_scoped3A : memref<!tpu.dma_semaphore, #tpu.memory_space<semaphore_mem>>) src(%arg8 : memref<128x64xf32, #tpu.memory_space<vmem>>) dst(%dma_wait3A_108 : memref<10240x64xf32, #tpu.memory_space<vmem_shared>>)
        tpu.yield
      }) : () -> ()
      %lt3A_91 = arith.constant 79 : i32
      %lt3A_92 = arith.cmpi slt, %scan3A_62, %lt3A_91 : i32
      %convert_element_type3A_93 = arith.extui %lt3A_92 : i1 to i32
      %cond3A_94 = arith.constant 0 : i32
      %cond3A_95 = arith.cmpi ne, %convert_element_type3A_93, %cond3A_94 : i32
      scf.if %cond3A_95 {
        %add3A_97 = arith.constant 2 : i32
        %add3A_98 = arith.addi %add3A_80, %add3A_97 : i32
        %dma_start3A_99 = arith.constant 0 : i32
        %dma_start3A_100 = tpu.memref_slice %arg9[%add3A_98, %dma_start3A_99] : memref<160x128xi32, #tpu.memory_space<vmem>> -> memref<1x128xi32, #tpu.memory_space<vmem>>
        %dma_start3A_101 = tpu.memref_squeeze %dma_start3A_100 : memref<1x128xi32, #tpu.memory_space<vmem>> -> memref<128xi32, #tpu.memory_space<vmem>>
        %dma_start3A_102 = arith.constant 0 : i32
        %dma_start3A_103 = arith.constant 0 : i32
        %dma_start3A_104 = tpu.memref_slice %arg2[%arg0, %dma_start3A_102, %dma_start3A_103] : memref<2x10000x64xf32, #tpu.memory_space<hbm>> -> memref<1x10000x64xf32, #tpu.memory_space<hbm>>
        %dma_start3A_105 = tpu.memref_squeeze %dma_start3A_104 : memref<1x10000x64xf32, #tpu.memory_space<hbm>> -> memref<10000x64xf32, #tpu.memory_space<hbm>>
        %dma_start3A_106 = arith.constant 0 : i32
        %dma_start3A_107 = arith.constant 0 : i32
        %dma_start3A_108 = tpu.memref_slice %dma_start3A_105[%dma_start3A_106, %dma_start3A_107] : memref<10000x64xf32, #tpu.memory_space<hbm>> -> memref<10000x64xf32, #tpu.memory_space<hbm>>
        tpu.enqueue_indirect_dma source(%dma_start3A_108 : memref<10000x64xf32, #tpu.memory_space<hbm>>) target(%arg8 : memref<128x64xf32, #tpu.memory_space<vmem>>) offsets(%dma_start3A_101 : memref<128xi32, #tpu.memory_space<vmem>>) semaphore(%arg12 : memref<!tpu.dma_semaphore, #tpu.memory_space<semaphore_mem>>)
      } else {
      }
      %scan3A_96 = arith.constant 0 : i32
      scf.yield %scan3A_96 : i32
    }
    %scan3A_56 = arith.constant 80 : i32
    %barrier3A_57 = arith.constant 0 : index
    tpu.barrier barrier_id(%barrier3A_57)
    %mul3A_58 = arith.constant 640 : i32
    %mul3A_59 = arith.muli %arg1, %mul3A_58 : i32
    %mul3A_60 = arith.constant 640 : i32
    %mul3A_61 = arith.muli %arg1, %mul3A_60 : i32
    "tpu.region"() ({
      %run_scoped3A = tpu.sem_alloc : memref<!tpu.dma_semaphore, #tpu.memory_space<semaphore_mem>>
      %dma_start3A_62 = arith.constant 0 : i32
      %dma_start3A_63 = tpu.memref_slice %arg5[%arg0, %mul3A_61, %dma_start3A_62] : memref<2x10240x64xf32, #tpu.memory_space<hbm>> -> memref<1x640x64xf32, #tpu.memory_space<hbm>>
      %dma_start3A_64 = tpu.memref_squeeze %dma_start3A_63 : memref<1x640x64xf32, #tpu.memory_space<hbm>> -> memref<640x64xf32, #tpu.memory_space<hbm>>
      %dma_start3A_65 = arith.constant 0 : i32
      %dma_start3A_66 = tpu.memref_slice %arg6[%mul3A_59, %dma_start3A_65] : memref<10240x64xf32, #tpu.memory_space<vmem_shared>> -> memref<640x64xf32, #tpu.memory_space<vmem_shared>>
      tpu.enqueue_dma source(%dma_start3A_66 : memref<640x64xf32, #tpu.memory_space<vmem_shared>>) target(%dma_start3A_64 : memref<640x64xf32, #tpu.memory_space<hbm>>) target_semaphore(%run_scoped3A : memref<!tpu.dma_semaphore, #tpu.memory_space<semaphore_mem>>)
      %dma_wait3A = arith.constant 0 : i32
      %dma_wait3A_67 = tpu.memref_slice %arg5[%arg0, %mul3A_61, %dma_wait3A] : memref<2x10240x64xf32, #tpu.memory_space<hbm>> -> memref<1x640x64xf32, #tpu.memory_space<hbm>>
      %dma_wait3A_68 = tpu.memref_squeeze %dma_wait3A_67 : memref<1x640x64xf32, #tpu.memory_space<hbm>> -> memref<640x64xf32, #tpu.memory_space<hbm>>
      %dma_wait3A_69 = arith.constant 0 : i32
      %dma_wait3A_70 = tpu.memref_slice %arg6[%mul3A_59, %dma_wait3A_69] : memref<10240x64xf32, #tpu.memory_space<vmem_shared>> -> memref<640x64xf32, #tpu.memory_space<vmem_shared>>
      tpu.wait_dma2 semaphore(%run_scoped3A : memref<!tpu.dma_semaphore, #tpu.memory_space<semaphore_mem>>) src(%dma_wait3A_70 : memref<640x64xf32, #tpu.memory_space<vmem_shared>>) dst(%dma_wait3A_68 : memref<640x64xf32, #tpu.memory_space<hbm>>)
      tpu.yield
    }) : () -> ()
    return
  }
}

module attributes {stable_mosaic.version = 14 : i64} {
  func.func @_combine_body(%arg0: i32, %arg1: memref<1024x128xf32, #tpu.memory_space<vmem>>, %arg2: memref<2x1024x64xf32, #tpu.memory_space<vmem>>, %arg3: memref<2x16x10240xf32, #tpu.memory_space<vmem>>, %arg4: memref<128x128xf32, #tpu.memory_space<vmem>>, %arg5: memref<128x128xf32, #tpu.memory_space<vmem>>, %arg6: memref<1x128xf32, #tpu.memory_space<vmem>>, %arg7: memref<2x1024x64xf32, #tpu.memory_space<vmem>>) attributes {dimension_semantics = [#tpu.dimension_semantics<arbitrary>], iteration_bounds = array<i64: 10>, scalar_prefetch = 0 : i64, scratch_operands = 0 : i64, tpu.core_type = #tpu.core_type<tc>, window_params = [{transform_indices = @transform_0, window_bounds = array<i64: 1024, 128>}, {transform_indices = @transform_1, window_bounds = array<i64: 2, 1024, 64>}, {pipeline_mode = #tpu.pipeline_mode<synchronous>, transform_indices = @transform_2, window_bounds = array<i64: 2, 16, 10240>}, {pipeline_mode = #tpu.pipeline_mode<synchronous>, transform_indices = @transform_3, window_bounds = array<i64: 128, 128>}, {pipeline_mode = #tpu.pipeline_mode<synchronous>, transform_indices = @transform_4, window_bounds = array<i64: 128, 128>}, {pipeline_mode = #tpu.pipeline_mode<synchronous>, transform_indices = @transform_5, window_bounds = array<i64: 1, 128>}, {transform_indices = @transform_6, window_bounds = array<i64: 2, 1024, 64>}]} {
    %mul3A = arith.constant 1024 : i32
    %mul3A_0 = arith.muli %arg0, %mul3A : i32
    %get3A = arith.constant 0 : index
    %get3A_1 = arith.constant 0 : index
    %get3A_2 = arith.index_cast %mul3A_0 : i32 to index
    %get3A_3 = vector.load %arg3[%get3A, %get3A_1, %get3A_2] : memref<2x16x10240xf32, #tpu.memory_space<vmem>>, vector<2x16x1024xf32>
    %reduce_sum3A = arith.constant dense<0.000000e+00> : vector<1024xf32>
    %reduce_sum3A_4 = vector.multi_reduction <add>, %get3A_3, %reduce_sum3A [0, 1] : vector<2x16x1024xf32> to vector<1024xf32>
    %broadcast_in_dim3A = vector.shape_cast %reduce_sum3A_4 : vector<1024xf32> to vector<1024x1xf32>
    %max3A = arith.constant 1.000000e+00 : f32
    %max3A_5 = vector.broadcast %max3A : f32 to vector<1024x1xf32>
    %max3A_6 = arith.maximumf %broadcast_in_dim3A, %max3A_5 : vector<1024x1xf32>
    %div3A = arith.constant 1.000000e+00 : f32
    %div3A_7 = vector.broadcast %div3A : f32 to vector<1024x1xf32>
    %div3A_8 = arith.divf %div3A_7, %max3A_6 : vector<1024x1xf32>
    %get3A_9 = arith.constant 0 : index
    %get3A_10 = arith.constant 0 : index
    %get3A_11 = arith.constant 0 : index
    %get3A_12 = vector.load %arg2[%get3A_9, %get3A_10, %get3A_11] : memref<2x1024x64xf32, #tpu.memory_space<vmem>>, vector<1x1024x64xf32>
    %get3A_13 = vector.shape_cast %get3A_12 : vector<1x1024x64xf32> to vector<1024x64xf32>
    %get3A_14 = arith.constant 1 : index
    %get3A_15 = arith.constant 0 : index
    %get3A_16 = arith.constant 0 : index
    %get3A_17 = vector.load %arg2[%get3A_14, %get3A_15, %get3A_16] : memref<2x1024x64xf32, #tpu.memory_space<vmem>>, vector<1x1024x64xf32>
    %get3A_18 = vector.shape_cast %get3A_17 : vector<1x1024x64xf32> to vector<1024x64xf32>
    %concatenate3A = tpu.concatenate %get3A_13, %get3A_18 in 1 : vector<1024x64xf32>, vector<1024x64xf32> -> vector<1024x128xf32>
    %mul3A_19 = vector.broadcast %div3A_8 : vector<1024x1xf32> to vector<1024x128xf32>
    %mul3A_20 = arith.mulf %concatenate3A, %mul3A_19 : vector<1024x128xf32>
    %get3A_21 = arith.constant 0 : index
    %get3A_22 = arith.constant 0 : index
    %get3A_23 = vector.load %arg1[%get3A_21, %get3A_22] : memref<1024x128xf32, #tpu.memory_space<vmem>>, vector<1024x128xf32>
    %get3A_24 = arith.constant 0 : index
    %get3A_25 = arith.constant 0 : index
    %get3A_26 = vector.load %arg4[%get3A_24, %get3A_25] : memref<128x128xf32, #tpu.memory_space<vmem>>, vector<128x128xf32>
    %dot_general3A = arith.constant dense<0.000000e+00> : vector<1024x128xf32>
    %dot_general3A_27 = tpu.matmul %mul3A_20, %get3A_26, %dot_general3A {dimension_numbers = #tpu.dot_dimension_numbers<[1], [0], [0], [1], [0, 0, 1, 1], [], []>, transpose_lhs_hint = false} : vector<1024x128xf32>, vector<128x128xf32>, vector<1024x128xf32> -> vector<1024x128xf32>
    %get3A_28 = arith.constant 0 : index
    %get3A_29 = arith.constant 0 : index
    %get3A_30 = vector.load %arg5[%get3A_28, %get3A_29] : memref<128x128xf32, #tpu.memory_space<vmem>>, vector<128x128xf32>
    %dot_general3A_31 = arith.constant dense<0.000000e+00> : vector<1024x128xf32>
    %dot_general3A_32 = tpu.matmul %get3A_23, %get3A_30, %dot_general3A_31 {dimension_numbers = #tpu.dot_dimension_numbers<[1], [0], [0], [1], [0, 0, 1, 1], [], []>, transpose_lhs_hint = false} : vector<1024x128xf32>, vector<128x128xf32>, vector<1024x128xf32> -> vector<1024x128xf32>
    %add3A = arith.addf %dot_general3A_27, %dot_general3A_32 : vector<1024x128xf32>
    %get3A_33 = arith.constant 0 : index
    %get3A_34 = arith.constant 0 : index
    %get3A_35 = vector.load %arg6[%get3A_33, %get3A_34] : memref<1x128xf32, #tpu.memory_space<vmem>>, vector<1x128xf32>
    %add3A_36 = vector.broadcast %get3A_35 : vector<1x128xf32> to vector<1024x128xf32>
    %add3A_37 = arith.addf %add3A, %add3A_36 : vector<1024x128xf32>
    %max3A_38 = arith.constant 0.000000e+00 : f32
    %max3A_39 = vector.broadcast %max3A_38 : f32 to vector<1024x128xf32>
    %max3A_40 = arith.maximumf %add3A_37, %max3A_39 : vector<1024x128xf32>
    %slice3A = vector.extract_strided_slice %max3A_40 {offsets = [0, 0], sizes = [1024, 64], strides = [1, 1]} : vector<1024x128xf32> to vector<1024x64xf32>
    %swap3A = arith.constant 0 : index
    %swap3A_41 = arith.constant 0 : index
    %swap3A_42 = arith.constant 0 : index
    %swap3A_43 = vector.load %arg7[%swap3A, %swap3A_41, %swap3A_42] : memref<2x1024x64xf32, #tpu.memory_space<vmem>>, vector<1x1024x64xf32>
    %swap3A_44 = vector.shape_cast %swap3A_43 : vector<1x1024x64xf32> to vector<1024x64xf32>
    %swap3A_45 = vector.shape_cast %slice3A : vector<1024x64xf32> to vector<1x1024x64xf32>
    tpu.vector_store %arg7[%swap3A, %swap3A_41, %swap3A_42], %swap3A_45 {strides = array<i32>} : memref<2x1024x64xf32, #tpu.memory_space<vmem>>, vector<1x1024x64xf32>,
    %slice3A_46 = vector.extract_strided_slice %max3A_40 {offsets = [0, 64], sizes = [1024, 64], strides = [1, 1]} : vector<1024x128xf32> to vector<1024x64xf32>
    %swap3A_47 = arith.constant 1 : index
    %swap3A_48 = arith.constant 0 : index
    %swap3A_49 = arith.constant 0 : index
    %swap3A_50 = vector.load %arg7[%swap3A_47, %swap3A_48, %swap3A_49] : memref<2x1024x64xf32, #tpu.memory_space<vmem>>, vector<1x1024x64xf32>
    %swap3A_51 = vector.shape_cast %swap3A_50 : vector<1x1024x64xf32> to vector<1024x64xf32>
    %swap3A_52 = vector.shape_cast %slice3A_46 : vector<1024x64xf32> to vector<1x1024x64xf32>
    tpu.vector_store %arg7[%swap3A_47, %swap3A_48, %swap3A_49], %swap3A_52 {strides = array<i32>} : memref<2x1024x64xf32, #tpu.memory_space<vmem>>, vector<1x1024x64xf32>,
    return
  }
  func.func @transform_0(%arg0: i32) -> (i32, i32) {
    %c0_i32 = arith.constant 0 : i32
    %c0_i32_0 = arith.constant 0 : i32
    return %arg0, %c0_i32 : i32, i32
  }
  func.func @transform_1(%arg0: i32) -> (i32, i32, i32) {
    %c0_i32 = arith.constant 0 : i32
    %c0_i32_0 = arith.constant 0 : i32
    %c0_i32_1 = arith.constant 0 : i32
    return %c0_i32, %arg0, %c0_i32_0 : i32, i32, i32
  }
  func.func @transform_2(%arg0: i32) -> (i32, i32, i32) {
    %c0_i32 = arith.constant 0 : i32
    %c0_i32_0 = arith.constant 0 : i32
    %c0_i32_1 = arith.constant 0 : i32
    %c0_i32_2 = arith.constant 0 : i32
    return %c0_i32, %c0_i32_0, %c0_i32_1 : i32, i32, i32
  }
  func.func @transform_3(%arg0: i32) -> (i32, i32) {
    %c0_i32 = arith.constant 0 : i32
    %c0_i32_0 = arith.constant 0 : i32
    %c0_i32_1 = arith.constant 0 : i32
    return %c0_i32, %c0_i32_0 : i32, i32
  }
  func.func @transform_4(%arg0: i32) -> (i32, i32) {
    %c0_i32 = arith.constant 0 : i32
    %c0_i32_0 = arith.constant 0 : i32
    %c0_i32_1 = arith.constant 0 : i32
    return %c0_i32, %c0_i32_0 : i32, i32
  }
  func.func @transform_5(%arg0: i32) -> (i32, i32) {
    %c0_i32 = arith.constant 0 : i32
    %c0_i32_0 = arith.constant 0 : i32
    %c0_i32_1 = arith.constant 0 : i32
    return %c0_i32, %c0_i32_0 : i32, i32
  }
  func.func @transform_6(%arg0: i32) -> (i32, i32, i32) {
    %c0_i32 = arith.constant 0 : i32
    %c0_i32_0 = arith.constant 0 : i32
    %c0_i32_1 = arith.constant 0 : i32
    return %c0_i32, %arg0, %c0_i32_0 : i32, i32, i32
  }
}

module attributes {stable_mosaic.version = 14 : i64} {
  func.func @_combine_body(%arg0: i32, %arg1: memref<2x1024x64xf32, #tpu.memory_space<vmem>>, %arg2: memref<2x1024x64xf32, #tpu.memory_space<vmem>>, %arg3: memref<2x16x10240xf32, #tpu.memory_space<vmem>>, %arg4: memref<128x128xf32, #tpu.memory_space<vmem>>, %arg5: memref<128x128xf32, #tpu.memory_space<vmem>>, %arg6: memref<1x128xf32, #tpu.memory_space<vmem>>, %arg7: memref<1024x128xf32, #tpu.memory_space<vmem>>) attributes {dimension_semantics = [#tpu.dimension_semantics<arbitrary>], iteration_bounds = array<i64: 10>, scalar_prefetch = 0 : i64, scratch_operands = 0 : i64, tpu.core_type = #tpu.core_type<tc>, window_params = [{transform_indices = @transform_0, window_bounds = array<i64: 2, 1024, 64>}, {transform_indices = @transform_1, window_bounds = array<i64: 2, 1024, 64>}, {pipeline_mode = #tpu.pipeline_mode<synchronous>, transform_indices = @transform_2, window_bounds = array<i64: 2, 16, 10240>}, {pipeline_mode = #tpu.pipeline_mode<synchronous>, transform_indices = @transform_3, window_bounds = array<i64: 128, 128>}, {pipeline_mode = #tpu.pipeline_mode<synchronous>, transform_indices = @transform_4, window_bounds = array<i64: 128, 128>}, {pipeline_mode = #tpu.pipeline_mode<synchronous>, transform_indices = @transform_5, window_bounds = array<i64: 1, 128>}, {transform_indices = @transform_6, window_bounds = array<i64: 1024, 128>}]} {
    %mul3A = arith.constant 1024 : i32
    %mul3A_0 = arith.muli %arg0, %mul3A : i32
    %get3A = arith.constant 0 : index
    %get3A_1 = arith.constant 0 : index
    %get3A_2 = arith.index_cast %mul3A_0 : i32 to index
    %get3A_3 = vector.load %arg3[%get3A, %get3A_1, %get3A_2] : memref<2x16x10240xf32, #tpu.memory_space<vmem>>, vector<2x16x1024xf32>
    %reduce_sum3A = arith.constant dense<0.000000e+00> : vector<1024xf32>
    %reduce_sum3A_4 = vector.multi_reduction <add>, %get3A_3, %reduce_sum3A [0, 1] : vector<2x16x1024xf32> to vector<1024xf32>
    %broadcast_in_dim3A = vector.shape_cast %reduce_sum3A_4 : vector<1024xf32> to vector<1024x1xf32>
    %max3A = arith.constant 1.000000e+00 : f32
    %max3A_5 = vector.broadcast %max3A : f32 to vector<1024x1xf32>
    %max3A_6 = arith.maximumf %broadcast_in_dim3A, %max3A_5 : vector<1024x1xf32>
    %div3A = arith.constant 1.000000e+00 : f32
    %div3A_7 = vector.broadcast %div3A : f32 to vector<1024x1xf32>
    %div3A_8 = arith.divf %div3A_7, %max3A_6 : vector<1024x1xf32>
    %get3A_9 = arith.constant 0 : index
    %get3A_10 = arith.constant 0 : index
    %get3A_11 = arith.constant 0 : index
    %get3A_12 = vector.load %arg2[%get3A_9, %get3A_10, %get3A_11] : memref<2x1024x64xf32, #tpu.memory_space<vmem>>, vector<1x1024x64xf32>
    %get3A_13 = vector.shape_cast %get3A_12 : vector<1x1024x64xf32> to vector<1024x64xf32>
    %get3A_14 = arith.constant 1 : index
    %get3A_15 = arith.constant 0 : index
    %get3A_16 = arith.constant 0 : index
    %get3A_17 = vector.load %arg2[%get3A_14, %get3A_15, %get3A_16] : memref<2x1024x64xf32, #tpu.memory_space<vmem>>, vector<1x1024x64xf32>
    %get3A_18 = vector.shape_cast %get3A_17 : vector<1x1024x64xf32> to vector<1024x64xf32>
    %concatenate3A = tpu.concatenate %get3A_13, %get3A_18 in 1 : vector<1024x64xf32>, vector<1024x64xf32> -> vector<1024x128xf32>
    %mul3A_19 = vector.broadcast %div3A_8 : vector<1024x1xf32> to vector<1024x128xf32>
    %mul3A_20 = arith.mulf %concatenate3A, %mul3A_19 : vector<1024x128xf32>
    %get3A_21 = arith.constant 0 : index
    %get3A_22 = arith.constant 0 : index
    %get3A_23 = arith.constant 0 : index
    %get3A_24 = vector.load %arg1[%get3A_21, %get3A_22, %get3A_23] : memref<2x1024x64xf32, #tpu.memory_space<vmem>>, vector<1x1024x64xf32>
    %get3A_25 = vector.shape_cast %get3A_24 : vector<1x1024x64xf32> to vector<1024x64xf32>
    %get3A_26 = arith.constant 1 : index
    %get3A_27 = arith.constant 0 : index
    %get3A_28 = arith.constant 0 : index
    %get3A_29 = vector.load %arg1[%get3A_26, %get3A_27, %get3A_28] : memref<2x1024x64xf32, #tpu.memory_space<vmem>>, vector<1x1024x64xf32>
    %get3A_30 = vector.shape_cast %get3A_29 : vector<1x1024x64xf32> to vector<1024x64xf32>
    %concatenate3A_31 = tpu.concatenate %get3A_25, %get3A_30 in 1 : vector<1024x64xf32>, vector<1024x64xf32> -> vector<1024x128xf32>
    %get3A_32 = arith.constant 0 : index
    %get3A_33 = arith.constant 0 : index
    %get3A_34 = vector.load %arg4[%get3A_32, %get3A_33] : memref<128x128xf32, #tpu.memory_space<vmem>>, vector<128x128xf32>
    %dot_general3A = arith.constant dense<0.000000e+00> : vector<1024x128xf32>
    %dot_general3A_35 = tpu.matmul %mul3A_20, %get3A_34, %dot_general3A {dimension_numbers = #tpu.dot_dimension_numbers<[1], [0], [0], [1], [0, 0, 1, 1], [], []>, transpose_lhs_hint = false} : vector<1024x128xf32>, vector<128x128xf32>, vector<1024x128xf32> -> vector<1024x128xf32>
    %get3A_36 = arith.constant 0 : index
    %get3A_37 = arith.constant 0 : index
    %get3A_38 = vector.load %arg5[%get3A_36, %get3A_37] : memref<128x128xf32, #tpu.memory_space<vmem>>, vector<128x128xf32>
    %dot_general3A_39 = arith.constant dense<0.000000e+00> : vector<1024x128xf32>
    %dot_general3A_40 = tpu.matmul %concatenate3A_31, %get3A_38, %dot_general3A_39 {dimension_numbers = #tpu.dot_dimension_numbers<[1], [0], [0], [1], [0, 0, 1, 1], [], []>, transpose_lhs_hint = false} : vector<1024x128xf32>, vector<128x128xf32>, vector<1024x128xf32> -> vector<1024x128xf32>
    %add3A = arith.addf %dot_general3A_35, %dot_general3A_40 : vector<1024x128xf32>
    %get3A_41 = arith.constant 0 : index
    %get3A_42 = arith.constant 0 : index
    %get3A_43 = vector.load %arg6[%get3A_41, %get3A_42] : memref<1x128xf32, #tpu.memory_space<vmem>>, vector<1x128xf32>
    %add3A_44 = vector.broadcast %get3A_43 : vector<1x128xf32> to vector<1024x128xf32>
    %add3A_45 = arith.addf %add3A, %add3A_44 : vector<1024x128xf32>
    %swap3A = arith.constant 0 : index
    %swap3A_46 = arith.constant 0 : index
    %swap3A_47 = vector.load %arg7[%swap3A, %swap3A_46] : memref<1024x128xf32, #tpu.memory_space<vmem>>, vector<1024x128xf32>
    tpu.vector_store %arg7[%swap3A, %swap3A_46], %add3A_45 {strides = array<i32>} : memref<1024x128xf32, #tpu.memory_space<vmem>>, vector<1024x128xf32>,
    return
  }
  func.func @transform_0(%arg0: i32) -> (i32, i32, i32) {
    %c0_i32 = arith.constant 0 : i32
    %c0_i32_0 = arith.constant 0 : i32
    %c0_i32_1 = arith.constant 0 : i32
    return %c0_i32, %arg0, %c0_i32_0 : i32, i32, i32
  }
  func.func @transform_1(%arg0: i32) -> (i32, i32, i32) {
    %c0_i32 = arith.constant 0 : i32
    %c0_i32_0 = arith.constant 0 : i32
    %c0_i32_1 = arith.constant 0 : i32
    return %c0_i32, %arg0, %c0_i32_0 : i32, i32, i32
  }
  func.func @transform_2(%arg0: i32) -> (i32, i32, i32) {
    %c0_i32 = arith.constant 0 : i32
    %c0_i32_0 = arith.constant 0 : i32
    %c0_i32_1 = arith.constant 0 : i32
    %c0_i32_2 = arith.constant 0 : i32
    return %c0_i32, %c0_i32_0, %c0_i32_1 : i32, i32, i32
  }
  func.func @transform_3(%arg0: i32) -> (i32, i32) {
    %c0_i32 = arith.constant 0 : i32
    %c0_i32_0 = arith.constant 0 : i32
    %c0_i32_1 = arith.constant 0 : i32
    return %c0_i32, %c0_i32_0 : i32, i32
  }
  func.func @transform_4(%arg0: i32) -> (i32, i32) {
    %c0_i32 = arith.constant 0 : i32
    %c0_i32_0 = arith.constant 0 : i32
    %c0_i32_1 = arith.constant 0 : i32
    return %c0_i32, %c0_i32_0 : i32, i32
  }
  func.func @transform_5(%arg0: i32) -> (i32, i32) {
    %c0_i32 = arith.constant 0 : i32
    %c0_i32_0 = arith.constant 0 : i32
    %c0_i32_1 = arith.constant 0 : i32
    return %c0_i32, %c0_i32_0 : i32, i32
  }
  func.func @transform_6(%arg0: i32) -> (i32, i32) {
    %c0_i32 = arith.constant 0 : i32
    %c0_i32_0 = arith.constant 0 : i32
    return %arg0, %c0_i32 : i32, i32
  }
}

</mosaic_0001>

<sc_bundles>
// kernel: kernel.6.cloned.1.call-start
scs
__scs_entry_jumppad:
0x0: {  	(pc) =	sbr.rel $0x88, $3  }
0x1: {  	(tag) =	ssettag $0x0;
	lr =	simm.s32 $0x1  }
0x2: {  	[smem:$0x3F99] =	sst lr;
	_ =	strace $0xD0000000  }
0x3: {  	_ = 	snop  }
0x4: {  	_ = 	snop  }
0x5: {  	_ = 	snop  }
0x6: {  	_ = 	snop  }
0x7: {  	_ = 	snop  }
__scs_overlays_trampoline_lowered:
0x8: {  	[smem:$0x3FA8] =	sst s0  }
0x9: {  	[smem:$0x3FA9] =	sst s1  }
0xa: {  	[smem:$0x3FAA] =	sst s2  }
0xb: {  	[smem:$0x3FAB] =	sst s3  }
0xc: {  	[smem:$0x3FAC] =	sst s4  }
0xd: {  	[smem:$0x3FAD] =	sst s5  }
0xe: {  	[smem:$0x3FAE] =	sst s6  }
0xf: {  	[smem:$0x3FAF] =	sst s7  }
0x10: {  	[smem:$0x3FB0] =	sst s8  }
0x11: {  	[smem:$0x3FB1] =	sst s9;
	s0 =	simm.s32 @!p0 $0x0  }
0x12: {  	s1 =	sld [smem:$0x3F97];
	s0 =	simm.s32 @p0 $0x1  }
0x13: {  	[smem:$0x3FB2] =	sst s0;
	s0 =	simm.s32 @!p1 $0x0  }
0x14: {  	s2 =	sld [smem:$0x3F96];
	s0 =	simm.s32 @p1 $0x1  }
0x15: {  	[smem:$0x3FB3] =	sst s0;
	s0 =	simm.s32 @!p2 $0x0  }
0x16: {  	s3 =	sld [smem:$0x3FDB];
	s0 =	simm.s32 @p2 $0x1  }
0x17: {  	s4 =	simm.s32 $0x1BF5;
	[smem:$0x3FB5] =	sst s0  }
0x18: {  	s0 =	sld [smem:$0x3F98];
	_ =	swait.ge [sflag:s4], $0x0  }
0x19: {  	s7 =	sld [smem:$0x3F99]  }
0x1a: {  	s8 =	sadd.s32 $0xFFFFE003, lr  }
0x1b: {  	s9 =	sadd.s32 $0xFFFFFEF7, lr;
	s5 =	simm.s32 $0xFFFFFFFF;
	p2 =	slt.u32 s8, $0xFFFFF086  }
0x1c: {  	p1 =	slt.u32 s9, $0xF7A;
	s5 =	simm.s32 @!p2 $0x0  }
0x1d: {  	s5 =	simm.s32 @p1 $0x1;
	p0 =	seq.s32 s7, s2  }
0x1e: {  	s7 =	smul.u32 @!p0 $0xF7A, s2;
	p2 =	seq.s32 @!p0 s5, $0x0  }
0x1f: {  	s9 =	smul.u32 $0xF7A, s1;
	s8 =	simm.s32 @!p0 $0x1BF5;
	p2 =	por !p2, p0  }
0x20: {  	[sflag:s8] =	ssyncset.s32 @!p0 $0xFFFFF086;
	s6 =	sadd.s32 @!p0 s3, s7;
	s7 =	simm.s32 @!p0 $0x108  }
0x21: {  	s3 =	sadd.s32 s3, s9;
	s6 =	sadd.s32 @!p0 $0x88, s6;
	s7 =	simm.s32 @p2 $0x1082  }
0x22: {  	[simem:s7], [sflag:s8] =	dma.local @!p0 [hbm:s6], $0xF7A  }
0x23: {  	s9 =	sor.u32 $0xD0000000, s2;
	s6 =	simm.s32 $0x108;
	_ =	swait.ge @!p0 [sflag:s8], $0x0  }
0x24: {  	s3 =	sadd.s32 $0x88, s3;
	s6 =	simm.s32 @!p1 $0x1082;
	[sflag:s4] =	ssyncset.s32 $0xFFFFF086  }
0x25: {  	[simem:s6], [sflag:s4] =	dma.local [hbm:s3], $0xF7A  }
0x26: {  	[smem:$0x3F99] =	sst s1;
	(tag) =	ssettag s2;
	_ =	strace s9  }
0x27: {  	s1 =	sld [smem:$0x3FA9]  }
0x28: {  	s2 =	sld [smem:$0x3FAA]  }
0x29: {  	s4 =	sld [smem:$0x3FAC]  }
0x2a: {  	p0 =	seq.s32 s5, $0x0;
	s5 =	sld [smem:$0x3FAD]  }
0x2b: {  	s6 =	sld [smem:$0x3FAE]  }
0x2c: {  	s7 =	sld [smem:$0x3FAF]  }
0x2d: {  	s3 =	simm.s32 $0x108;
	s8 =	sld [smem:$0x3FB0]  }
0x2e: {  	s3 =	simm.s32 @!p0 $0x1082;
	s9 =	sld [smem:$0x3FB1]  }
0x2f: {  	lr =	sadd.s32 s0, s3;
	s0 =	sld [smem:$0x3FA8]  }
0x30: {  	s3 =	sld [smem:$0x3FAB]  }
0x31: {  	[smem:$0x3FB4] =	sst s10  }
0x32: {  	s10 =	sld [smem:$0x3FB2];
	_ =	sdelay $0x3  }
0x33: {  	p0 =	seq.s32 s10, $0x1;
	s10 =	sld [smem:$0x3FB4];
	_ =	sdelay $0x3  }
0x34: {  	[smem:$0x3FB4] =	sst s10  }
0x35: {  	s10 =	sld [smem:$0x3FB3];
	_ =	sdelay $0x3  }
0x36: {  	p1 =	seq.s32 s10, $0x1;
	s10 =	sld [smem:$0x3FB4];
	_ =	sdelay $0x3  }
0x37: {  	[smem:$0x3FB4] =	sst s10  }
0x38: {  	s10 =	sld [smem:$0x3FB5]  }
0x39: {  	_ = 	snop;
	(pc) =	sbr.ind lr, $3  }
0x3a: {  	_ = 	snop  }
0x3b: {  	_ = 	snop  }
0x3c: {  	p2 =	seq.s32 s10, $0x1;
	s10 =	sld [smem:$0x3FB4]  }
0x3d: {  	_ =	shalt  }
0x3e: {  	_ =	shalt  }
0x3f: {  	_ =	shalt  }
0x40: {  	_ =	shalt  }
0x41: {  	_ =	shalt  }
0x42: {  	_ =	shalt  }
0x43: {  	_ =	shalt  }
0x44: {  	_ =	shalt  }
0x45: {  	_ =	shalt  }
0x46: {  	_ =	shalt  }
0x47: {  	_ =	shalt  }
0x48: {  	_ =	shalt  }
0x49: {  	_ =	shalt  }
0x4a: {  	_ =	shalt  }
0x4b: {  	_ =	shalt  }
0x4c: {  	_ =	shalt  }
0x4d: {  	_ =	shalt  }
0x4e: {  	_ =	shalt  }
0x4f: {  	_ =	shalt  }
0x50: {  	_ =	shalt  }
0x51: {  	_ =	shalt  }
0x52: {  	_ =	shalt  }
0x53: {  	_ =	shalt  }
0x54: {  	_ =	shalt  }
0x55: {  	_ =	shalt  }
0x56: {  	_ =	shalt  }
0x57: {  	_ =	shalt  }
0x58: {  	_ =	shalt  }
0x59: {  	_ =	shalt  }
0x5a: {  	_ =	shalt  }
0x5b: {  	_ =	shalt  }
0x5c: {  	_ =	shalt  }
0x5d: {  	_ =	shalt  }
0x5e: {  	_ =	shalt  }
0x5f: {  	_ =	shalt  }
0x60: {  	_ =	shalt  }
0x61: {  	_ =	shalt  }
0x62: {  	_ =	shalt  }
0x63: {  	_ =	shalt  }
0x64: {  	_ =	shalt  }
0x65: {  	_ =	shalt  }
0x66: {  	_ =	shalt  }
0x67: {  	_ =	shalt  }
0x68: {  	_ =	shalt  }
0x69: {  	_ =	shalt  }
0x6a: {  	_ =	shalt  }
0x6b: {  	_ =	shalt  }
0x6c: {  	_ =	shalt  }
0x6d: {  	_ =	shalt  }
0x6e: {  	_ =	shalt  }
0x6f: {  	_ =	shalt  }
0x70: {  	_ =	shalt  }
0x71: {  	_ =	shalt  }
0x72: {  	_ =	shalt  }
0x73: {  	_ =	shalt  }
0x74: {  	_ =	shalt  }
0x75: {  	_ =	shalt  }
0x76: {  	_ =	shalt  }
0x77: {  	_ =	shalt  }
0x78: {  	_ =	shalt  }
0x79: {  	_ =	shalt  }
0x7a: {  	_ =	shalt  }
0x7b: {  	_ =	shalt  }
0x7c: {  	_ =	shalt  }
0x7d: {  	_ =	shalt  }
0x7e: {  	_ =	shalt  }
0x7f: {  	_ =	shalt  }
0x80: {  	_ =	shalt  }
0x81: {  	_ =	shalt  }
0x82: {  	_ =	shalt  }
0x83: {  	_ =	shalt  }
0x84: {  	_ =	shalt  }
0x85: {  	_ =	shalt  }
0x86: {  	_ =	shalt  }
0x87: {  	_ =	shalt  }
.Lfunc_end0:
.L_simem_size_0:
called_computation_lowered:
.L_overlay_start_0:
0x88: {  	s2 =	sld [smem:$0x3FD9]  }
0x89: {  	s3 =	sld [smem:$0x3FFE];
	_ =	sdelay $0x1  }
0x8a: {  	s1 =	srdreg.scid  }
0x8b: {  	s0 =	sand.u32 $0x1, s1  }
0x8c: {  	s17 =	sshll.u32 s0, $0xA;
	s2 =	sadd.s32 s3, s2  }
0x8d: {  	s2 =	sadd.s32 s2, s17  }
0x8e: {  	[smem:$0x3FC0] =	sst s2  }
0x8f: {  	_ = 	snop  }
0x90: {  	s2 =	sld [smem:$0x3FD0];
	(tm) =	ssettm $0x1  }
0x91: {  	s18 =	sld [smem:$0x3FFB];
	_ =	sdelay $0x3  }
0x92: {  	_ =	strace s18  }
0x93: {  	s3 =	sld [smem:$0x3FFC];
	_ =	sdelay $0x3  }
0x94: {  	_ =	strace s3  }
0x95: {  	s3 =	sld [smem:$0x3FFD];
	_ =	sdelay $0x3  }
0x96: {  	_ =	strace s3  }
0x97: {  	_ =	strace $0x8FFFFFFF  }
0x98: {  	s19 =	sld [smem:$0x3FDB];
	_ =	sdelay $0x1  }
0x99: {  	s4 =	simm.s32 $_scs_section_size  }
0x9a: {  	s5 =	simm.s32 $_size__tile_overlayer_lowered;
	s6 =	simm.s32 $_tile_overlayer_lowered  }
0x9b: {  	s22 =	simm.s32 $0x1BFF;
	s21 =	sshll.u32 s6, $0x1;
	s3 =	sadd.s32 s4, s19  }
0x9c: {  	s7 =	simm.s32 $0x0;
	s20 =	sshll.u32 s5, $0x1;
	s5 =	sadd.s32 s21, s3  }
0x9d: {  	[timem:s7], [sflag:s22] =	dma.local [hbm:s5], s20  }
0x9e: {  	_ =	swait.ge [sflag:s22], s20  }
0x9f: {  	s4 =	ssub.s32 $0x0, s20;
	[sflag:s22] =	ssyncset.done $0x0  }
0xa0: {  	[sflag:s22] =	ssyncadd.s32 s4;
	_ =	sdelay $0x1  }
0xa1: {  	s23 =	simm.s32 $0x1B8B  }
0xa2: {  	_ =	swait.ge [sflag:s23], $0x1  }
0xa3: {  	[sflag:s23] =	ssyncset.done $0x0  }
0xa4: {  	s25 =	simm.s32 $0x1B8E;
	s24 =	sld [smem:$0x3FFE];
	[sflag:s23] =	ssyncadd.s32 $0xFFFFFFFF  }
0xa5: {  	s26 =	simm.s32 $execute0_lowered;
	[smem:$0x3FD2] =	sst s25  }
0xa6: {  	s5 =	sshll.u32 s26, $0x1;
	_ =	strace $0x80000046;
	[dreg:$0x1] =	wrdreg $0xFFFFFFFF  }
0xa7: {  	s28 =	simm.s32 $_size_execute0_lowered;
	s3 =	sadd.s32 s3, s5;
	[dreg:$0x0] =	wrdreg $0x0  }
0xa8: {  	s5 =	sshll.u32 s28, $0x1;
	[dreg:$0x2] =	wrdreg s3  }
0xa9: {  	[dreg:$0x3] =	wrdreg s5  }
0xaa: {  	[dreg:$0x4] =	wrdreg $0xC0  }
0xab: {  	_ =	task [dreg:s7], $0x5FFFF  }
0xac: {  	[dreg:$0x1] =	wrdreg $0xFFFFFFFF  }
0xad: {  	[dreg:$0x0] =	wrdreg $0x60  }
0xae: {  	[dreg:$0x2] =	wrdreg s2  }
0xaf: {  	[dreg:$0x3] =	wrdreg s24  }
0xb0: {  	[dreg:$0x4] =	wrdreg $0x0  }
0xb1: {  	[dreg:$0x5] =	wrdreg $0x9  }
0xb2: {  	_ =	task.clear_ibuf [dreg:s7], $0x6FFFF;
	_ =	strace $0x90000046  }
0xb3: {  	s29 =	simm.s32 $0x9;
	_ =	strace $0x80000048  }
0xb4: {  	_ =	swait.ge [sflag:s29], $0x1  }
0xb5: {  	[sflag:s29] =	ssyncadd.s32 $0xFFFFFFFF  }
0xb6: {  	_ =	strace $0x90000048  }
0xb7: {  	_ =	sfence  }
0xb8: {  	s30 =	sld [smem:$0x0];
	_ =	sdelay $0x2  }
0xb9: {  	s31 =	sshll.u32 s1, $0xD;
	s1 =	sshrl.u32 s1, $0x2  }
0xba: {  	s3 =	sand.u32 $0x4000, s31;
	s1 =	sadd.s32 s1, s30  }
0xbb: {  	s0 =	sor.u32 s3, s0;
	s1 =	sshll.u32 s1, $0x11  }
0xbc: {  	s0 =	sor.u32 s1, s0  }
0xbd: {  	s0 =	sadd.s32 $0x8F2B, s0  }
0xbe: {  	[sflag:s0] =	ssyncadd.remote.s32 $0x1  }
0xbf: {  	_ =	sfence.sel $0xFFFF  }
0xc0: {  	[dreg:$0x0] =	wrdreg $0xFFFFFFFF;
	(pc) =	sbr.abs _section_cstart, $3  }
0xc1: {  	[dreg:$0x1] =	wrdreg $0xFFFFFFFF  }
0xc2: {  	_ =	task.clear_ibuf [dreg:s7], $0x2FFFF;
	_ =	strace $0x9FFFFFFF  }
0xc3: {  	(tm) =	ssettm $0x7FFFFFFF  }
tec
execute0_lowered:
.L_overlay_start_1:
0x0: {  	(tag) =	ssettag $0x1  }
0x1: {  	s11 =	rddreg [dreg:$0x0]  }
0x2: {  	s0 =	stileid.u32;
	s5 =	rddreg [dreg:$0x1]  }
0x3: {  	s1 =	srdreg.scid;
	s2 =	rddreg [dreg:$0x2];
	s3 =	simm.s32 $0x0  }
0x4: {  	s17 =	simm.s32 $0xE000;
	s18 =	simm.s32 $0x13000;
	s4 =	smul.u32 $0xA00, s0  }
0x5: {  	s19 =	simm.s32 $0x80;
	s20 =	simm.s32 $0xE080;
	s6 =	smul.u32 $0xA000, s0  }
0x6: {  	s21 =	simm.s32 $0xC000;
	s22 =	simm.s32 $0x1;
	s9 =	smul.u32 $0x2800, s0  }
0x7: {  	s24 =	simm.s32 $0x17F00;
	s23 =	sand.u32 $0x1, s1;
	s10 =	smul.u32 $0x28000, s0  }
0x8: {  	s25 =	simm.s32 $0x18000;
	s1 =	rddreg [dreg:$0x3];
	s7 =	smul.u32 $0xA0000, s23  }
0x9: {  	s26 =	simm.s32 $0x0;
	[smem:$0x7FF] =	sst s3;
	s8 =	smul.u32 $0x28000, s23  }
0xa: {  	_ =	strace $0x80000047;
	s29 =	ssub.s32 $0x2, s23;
	s16 =	smul.u32 $0x13880, s23  }
0xb: {  	p0 =	sne.s32 s23, $0x0;
	p1 =	seq.s32 s23, $0x0;
	s23 =	simm.s32 $0x2  }
0xc: {  	s12 =	sadd.s32 s4, s5;
	s30 =	sshrl.u32 s10, $0x2;
	s31 =	sshrl.u32 s29, $0x1  }
0xd: {  	s7 =	sadd.s32 s6, s7;
	s28 =	sadd.s32 s9, s8;
	s8 =	sadd.s32 s30, s2  }
0xe: {  	s15 =	ssub.s32 s29, s31;
	s9 =	sadd.s32 $0xB400, s12;
	s10 =	sadd.s32 $0x1400, s12  }
0xf: {  	s11 =	sadd.s32 s11, s16;
	s7 =	sshrl.u32 s7, $0x3;
	s4 =	sshrl.u32 s28, $0x3  }
0x10: {  	s16 =	simm.s32 $0x3;
	s13 =	sadd.s32 s7, s5;
	s14 =	sadd.s32 s4, s5  }
0x11: {  	s4 =	sadd.s32 s6, s2;
	s5 =	sadd.s32 $0x2000, s8;
	s6 =	sadd.s32 $0x4000, s8  }
0x12: {  	s7 =	sadd.s32 $0x6000, s8;
	s8 =	sadd.s32 $0x8000, s8;
	s12 =	sadd.s32 $0x1F400, s13  }
0x13: {  	v0 =	vimm.f32 $0.0e+00;
	s13 =	sadd.s32 $0x15400, s14;
	s14 =	smax.u32 s15, $0x1;
	s15 =	simm.s32 $0xA000  }
.LBB2_1:
0x14: {  	s29 =	simm.s32 $0x100;
	s28 =	simm.s32 $0x0  }
.LBB2_2:
0x15: {  	p2 =	sne.s32 s29, $0x7F00;
	[tilespmem:s28+$0xA030] =	vst v0;
	s30 =	smov.u32 s29;
	s29 =	sadd.s32 $0x100, s29  }
.Ltmp0:
0x16: {  	[tilespmem:s28+$0xA020] =	vst v0;
	(pc) =	sbr.rel @p2 .LBB2_2-.Ltmp0, $3  }
0x17: {  	[tilespmem:s28+$0xA000] =	vst v0  }
0x18: {  	[tilespmem:s28+$0xA010] =	vst v0;
	_ =	sdelay $0x1  }
0x19: {  	s28 =	sshra.s32 s30, $0x2  }
0x1a: {  	[tilespmem:s28+$0xA030] =	vst v0  }
0x1b: {  	[tilespmem:s28+$0xA020] =	vst v0  }
0x1c: {  	[tilespmem:s28+$0xA000] =	vst v0  }
0x1d: {  	[tilespmem:s28+$0xA010] =	vst v0  }
0x1e: {  	[spmem:s4] =	stream.linear.scatter [tilespmem:s15], [sflag:$0x3], $0x2000, $0x38;
	[tilespmem:$0x1A800] =	vst v63  }
0x1f: {  	_ =	swait.ge [sflag:s16], $0x2000  }
0x20: {  	[sflag:s16] =	ssyncset.done $0x0  }
0x21: {  	[sflag:s16] =	ssyncadd.s32 $0xFFFFE000  }
0x22: {  	[spmem:s5] =	stream.linear.scatter [tilespmem:s15], [sflag:$0x3], $0x2000, $0x38;
	[tilespmem:$0x1A800] =	vst v63  }
0x23: {  	_ =	swait.ge [sflag:s16], $0x2000  }
0x24: {  	[sflag:s16] =	ssyncset.done $0x0  }
0x25: {  	[sflag:s16] =	ssyncadd.s32 $0xFFFFE000  }
0x26: {  	[spmem:s6] =	stream.linear.scatter [tilespmem:s15], [sflag:$0x3], $0x2000, $0x38;
	[tilespmem:$0x1A800] =	vst v63  }
0x27: {  	_ =	swait.ge [sflag:s16], $0x2000  }
0x28: {  	[sflag:s16] =	ssyncset.done $0x0  }
0x29: {  	[sflag:s16] =	ssyncadd.s32 $0xFFFFE000  }
0x2a: {  	[spmem:s7] =	stream.linear.scatter [tilespmem:s15], [sflag:$0x3], $0x2000, $0x38;
	[tilespmem:$0x1A800] =	vst v63  }
0x2b: {  	_ =	swait.ge [sflag:s16], $0x2000  }
0x2c: {  	[sflag:s16] =	ssyncset.done $0x0  }
0x2d: {  	[sflag:s16] =	ssyncadd.s32 $0xFFFFE000  }
0x2e: {  	[spmem:s8] =	stream.linear.scatter [tilespmem:s15], [sflag:$0x3], $0x2000, $0x38;
	[tilespmem:$0x1A800] =	vst v63  }
0x2f: {  	_ =	swait.ge [sflag:s16], $0x2000  }
0x30: {  	[sflag:s16] =	ssyncset.done $0x0  }
0x31: {  	s28 =	simm.s32 $0x40;
	s29 =	simm.s32 $0x0;
	[sflag:s16] =	ssyncadd.s32 $0xFFFFE000  }
.LBB2_4:
0x32: {  	p2 =	sne.s32 s28, $0x9FC0;
	[tilespmem:s29+$0x18000] =	vst v0;
	s29 =	smov.u32 s28;
	s28 =	sadd.s32 $0x40, s28  }
.Ltmp1:
0x33: {  	(pc) =	sbr.rel @p2 .LBB2_4-.Ltmp1, $2  }
0x34: {  	_ =	sdelay $0x2  }
0x35: {  	s29 =	sshra.s32 s29, $0x2  }
0x36: {  	[tilespmem:s29+$0x18000] =	vst v0;
	s29 =	simm.s32 $0x0  }
0x37: {  	[tilespmem:s17], [sflag:$0x3] =	stream.linear.gather [hbm4b:s9+s29], $0x5000, $0x38;
	[tilespmem:$0x1A800] =	vst v63  }
0x38: {  	_ =	swait.ge [sflag:s16], $0x5000  }
0x39: {  	[sflag:s16] =	ssyncset.done $0x0  }
0x3a: {  	[sflag:s16] =	ssyncadd.s32 $0xFFFFB000  }
0x3b: {  	[tilespmem:s18], [sflag:$0x3] =	stream.linear.gather [hbm4b:s10+s29], $0x5000, $0x38;
	[tilespmem:$0x1A800] =	vst v63  }
0x3c: {  	_ =	swait.ge [sflag:s16], $0x5000  }
0x3d: {  	[sflag:s16] =	ssyncset.done $0x0  }
0x3e: {  	[sflag:s16] =	ssyncadd.s32 $0xFFFFB000  }
0x3f: {  	[bflag:$0x0] =	sbarrier.arrive $0xFFFF  }
0x40: {  	[tilespmem:s15], [sflag:$0x1] =	stream.indirect.gather [hbm4b:s11+s19], $0x40, s17, s19, $0xb8;
	[tilespmem:$0x1A800] =	vst v63  }
0x41: {  	_ = 	snop  }
0x42: {  	[tilespmem:s21], [sflag:$0x2] =	stream.indirect.gather [hbm4b:s11+s19], $0x40, s20, s19, $0xb8;
	[tilespmem:$0x1A800] =	vst v63  }
.LBB2_6:
0x43: {  	_ =	swait.ge [sflag:s22], $0x2000  }
0x44: {  	s30 =	sshra.s32 s29, $0x2;
	[sflag:s22] =	ssyncset.done $0x0  }
0x45: {  	s28 =	sadd.s32 $0x13000, s30;
	[sflag:s22] =	ssyncadd.s32 $0xFFFFE000  }
0x46: {  	[spmem:s2] =	stream.indirect.scatter.add.f32 [tilespmem:s15], [sflag:$0x3], $0x40, s28, s19, $0xb8;
	[tilespmem:$0x1A800] =	vst v63  }
0x47: {  	_ =	swait.ge [sflag:s16], $0x2000  }
0x48: {  	[sflag:s16] =	ssyncset.done $0x0  }
0x49: {  	s31 =	sshra.s32 @!p0 s29, $0x2;
	s28 =	sadd.s32 $0xE100, s30;
	[sflag:s16] =	ssyncadd.s32 $0xFFFFE000  }
0x4a: {  	[tilespmem:s15], [sflag:$0x1] =	stream.indirect.gather [hbm4b:s11+s19], $0x40, s28, s19, $0xb8;
	[tilespmem:$0x1A800] =	vst v63  }
0x4b: {  	v2 =	vld @!p0 [tilespmem:s31+$0x13000];
	_ =	sdelay $0x6  }
0x4c: {  	v1 =	vimm.f32 @!p0 $1.000000000e+00;
	s28 =	simm.s32 @!p0 $0x18000  }
0x4d: {  	[tilespmem:v2+s28+$0x0] =	vst.idx.add.f32.msk @!p0 $0xffff, v1  }
0x4e: {  	v2 =	vld @!p0 [tilespmem:s31+$0x13010];
	_ =	sdelay $0x7  }
0x4f: {  	[tilespmem:v2+s28+$0x0] =	vst.idx.add.f32.msk @!p0 $0xffff, v1  }
0x50: {  	v2 =	vld @!p0 [tilespmem:s31+$0x13020];
	_ =	sdelay $0x7  }
0x51: {  	[tilespmem:v2+s28+$0x0] =	vst.idx.add.f32.msk @!p0 $0xffff, v1  }
0x52: {  	v2 =	vld @!p0 [tilespmem:s31+$0x13030];
	_ =	sdelay $0x7  }
0x53: {  	[tilespmem:v2+s28+$0x0] =	vst.idx.add.f32.msk @!p0 $0xffff, v1  }
0x54: {  	v2 =	vld @!p0 [tilespmem:s31+$0x13040];
	_ =	sdelay $0x7  }
0x55: {  	[tilespmem:v2+s28+$0x0] =	vst.idx.add.f32.msk @!p0 $0xffff, v1  }
0x56: {  	v2 =	vld @!p0 [tilespmem:s31+$0x13050];
	_ =	sdelay $0x7  }
0x57: {  	[tilespmem:v2+s28+$0x0] =	vst.idx.add.f32.msk @!p0 $0xffff, v1  }
0x58: {  	v2 =	vld @!p0 [tilespmem:s31+$0x13060];
	_ =	sdelay $0x7  }
0x59: {  	[tilespmem:v2+s28+$0x0] =	vst.idx.add.f32.msk @!p0 $0xffff, v1  }
0x5a: {  	v2 =	vld @!p0 [tilespmem:s31+$0x13070];
	_ =	sdelay $0x7  }
0x5b: {  	[tilespmem:v2+s28+$0x0] =	vst.idx.add.f32.msk @!p0 $0xffff, v1  }
0x5c: {  	_ =	swait.ge [sflag:s23], $0x2000  }
0x5d: {  	[sflag:s23] =	ssyncset.done $0x0  }
0x5e: {  	s31 =	sadd.s32 $0x13080, s30;
	[sflag:s23] =	ssyncadd.s32 $0xFFFFE000  }
0x5f: {  	[spmem:s2] =	stream.indirect.scatter.add.f32 [tilespmem:s21], [sflag:$0x3], $0x40, s31, s19, $0xb8;
	[tilespmem:$0x1A800] =	vst v63  }
0x60: {  	_ =	swait.ge [sflag:s16], $0x2000  }
0x61: {  	[sflag:s16] =	ssyncset.done $0x0  }
0x62: {  	s31 =	sadd.s32 $0xE180, s30;
	[sflag:s16] =	ssyncadd.s32 $0xFFFFE000  }
0x63: {  	[tilespmem:s21], [sflag:$0x2] =	stream.indirect.gather [hbm4b:s11+s19], $0x40, s31, s19, $0xb8;
	[tilespmem:$0x1A800] =	vst v63  }
0x64: {  	v2 =	vld @!p1 [tilespmem:s30+$0x13080];
	_ =	sdelay $0x6  }
0x65: {  	v3 =	vimm.f32 @!p1 $1.000000000e+00;
	s30 =	simm.s32 @!p1 $0x18000  }
0x66: {  	s31 =	sshra.s32 @!p1 s29, $0x2;
	[tilespmem:v2+s30+$0x0] =	vst.idx.add.f32.msk @!p1 $0xffff, v3  }
0x67: {  	v2 =	vld @!p1 [tilespmem:s31+$0x13090];
	_ =	sdelay $0x7  }
0x68: {  	[tilespmem:v2+s30+$0x0] =	vst.idx.add.f32.msk @!p1 $0xffff, v3  }
0x69: {  	v2 =	vld @!p1 [tilespmem:s31+$0x130A0];
	_ =	sdelay $0x7  }
0x6a: {  	[tilespmem:v2+s30+$0x0] =	vst.idx.add.f32.msk @!p1 $0xffff, v3  }
0x6b: {  	v2 =	vld @!p1 [tilespmem:s31+$0x130B0];
	_ =	sdelay $0x7  }
0x6c: {  	[tilespmem:v2+s30+$0x0] =	vst.idx.add.f32.msk @!p1 $0xffff, v3  }
0x6d: {  	v2 =	vld @!p1 [tilespmem:s31+$0x130C0];
	_ =	sdelay $0x7  }
0x6e: {  	[tilespmem:v2+s30+$0x0] =	vst.idx.add.f32.msk @!p1 $0xffff, v3  }
0x6f: {  	v2 =	vld @!p1 [tilespmem:s31+$0x130D0];
	_ =	sdelay $0x7  }
0x70: {  	[tilespmem:v2+s30+$0x0] =	vst.idx.add.f32.msk @!p1 $0xffff, v3  }
0x71: {  	v2 =	vld @!p1 [tilespmem:s31+$0x130E0];
	_ =	sdelay $0x7  }
0x72: {  	[tilespmem:v2+s30+$0x0] =	vst.idx.add.f32.msk @!p1 $0xffff, v3  }
0x73: {  	v2 =	vld @!p1 [tilespmem:s31+$0x130F0];
	_ =	sdelay $0x1  }
0x74: {  	s29 =	sadd.s32 $0x400, s29  }
0x75: {  	p2 =	sne.s32 s29, $0x13C00  }
.Ltmp2:
0x76: {  	_ = 	snop;
	(pc) =	sbr.rel @p2 .LBB2_6-.Ltmp2, $2  }
0x77: {  	_ =	sdelay $0x2  }
0x78: {  	[tilespmem:v2+s30+$0x0] =	vst.idx.add.f32.msk @!p1 $0xffff, v3  }
0x79: {  	_ =	swait.ge [sflag:s22], $0x2000  }
0x7a: {  	[sflag:s22] =	ssyncset.done $0x0  }
0x7b: {  	[sflag:s22] =	ssyncadd.s32 $0xFFFFE000  }
0x7c: {  	[spmem:s2] =	stream.indirect.scatter.add.f32 [tilespmem:s15], [sflag:$0x3], $0x40, s24, s19, $0xb8;
	[tilespmem:$0x1A800] =	vst v63  }
0x7d: {  	_ =	swait.ge [sflag:s16], $0x2000  }
0x7e: {  	[sflag:s16] =	ssyncset.done $0x0  }
0x7f: {  	s29 =	simm.s32 @p0 $0x2;
	[sflag:s16] =	ssyncadd.s32 $0xFFFFE000  }
0x80: {  	_ =	swait.ge @p0 [sflag:s29], $0x2000  }
0x81: {  	s30 =	simm.s32 @p0 $0x17F80;
	[sflag:s29] =	ssyncset.done @p0 $0x0  }
0x82: {  	s31 =	simm.s32 @p0 $0xC000;
	[sflag:s29] =	ssyncadd.s32 @p0 $0xFFFFE000;
	s29 =	simm.s32 @p0 $0x80  }
0x83: {  	[spmem:s2] =	stream.indirect.scatter.add.f32 @p0 [tilespmem:s31], [sflag:$0x3], $0x40, s30, s29, $0xb8;
	[tilespmem:$0x1A800] =	vst v63  }
0x84: {  	s29 =	simm.s32 @p0 $0x3  }
0x85: {  	_ =	swait.ge @p0 [sflag:s29], $0x2000  }
0x86: {  	[sflag:s29] =	ssyncset.done @p0 $0x0  }
0x87: {  	[sflag:s29] =	ssyncadd.s32 @p0 $0xFFFFE000  }
0x88: {  	v2 =	vld @p0 [tilespmem:$0x17F80];
	_ =	sdelay $0x6  }
0x89: {  	v3 =	vimm.f32 @p0 $1.000000000e+00;
	s29 =	simm.s32 @p0 $0x18000  }
0x8a: {  	[tilespmem:v2+s29+$0x0] =	vst.idx.add.f32.msk @p0 $0xffff, v3  }
0x8b: {  	v2 =	vld @p0 [tilespmem:$0x17F90];
	_ =	sdelay $0x7  }
0x8c: {  	[tilespmem:v2+s29+$0x0] =	vst.idx.add.f32.msk @p0 $0xffff, v3  }
0x8d: {  	v2 =	vld @p0 [tilespmem:$0x17FA0];
	_ =	sdelay $0x7  }
0x8e: {  	[tilespmem:v2+s29+$0x0] =	vst.idx.add.f32.msk @p0 $0xffff, v3  }
0x8f: {  	v2 =	vld @p0 [tilespmem:$0x17FB0];
	_ =	sdelay $0x7  }
0x90: {  	[tilespmem:v2+s29+$0x0] =	vst.idx.add.f32.msk @p0 $0xffff, v3  }
0x91: {  	v2 =	vld @p0 [tilespmem:$0x17FC0];
	_ =	sdelay $0x7  }
0x92: {  	[tilespmem:v2+s29+$0x0] =	vst.idx.add.f32.msk @p0 $0xffff, v3  }
0x93: {  	v2 =	vld @p0 [tilespmem:$0x17FD0];
	_ =	sdelay $0x7  }
0x94: {  	[tilespmem:v2+s29+$0x0] =	vst.idx.add.f32.msk @p0 $0xffff, v3  }
0x95: {  	v2 =	vld @p0 [tilespmem:$0x17FE0];
	_ =	sdelay $0x7  }
0x96: {  	[tilespmem:v2+s29+$0x0] =	vst.idx.add.f32.msk @p0 $0xffff, v3  }
0x97: {  	v2 =	vld @p0 [tilespmem:$0x17FF0];
	_ =	sdelay $0x7  }
0x98: {  	[tilespmem:v2+s29+$0x0] =	vst.idx.add.f32.msk @p0 $0xffff, v3  }
0x99: {  	v2 =	vld @!p0 [tilespmem:$0x17F00];
	_ =	sdelay $0x7  }
0x9a: {  	[tilespmem:v2+s28+$0x0] =	vst.idx.add.f32.msk @!p0 $0xffff, v1  }
0x9b: {  	v2 =	vld @!p0 [tilespmem:$0x17F10];
	_ =	sdelay $0x7  }
0x9c: {  	[tilespmem:v2+s28+$0x0] =	vst.idx.add.f32.msk @!p0 $0xffff, v1  }
0x9d: {  	v2 =	vld @!p0 [tilespmem:$0x17F20];
	_ =	sdelay $0x7  }
0x9e: {  	[tilespmem:v2+s28+$0x0] =	vst.idx.add.f32.msk @!p0 $0xffff, v1  }
0x9f: {  	v2 =	vld @!p0 [tilespmem:$0x17F30];
	_ =	sdelay $0x7  }
0xa0: {  	[tilespmem:v2+s28+$0x0] =	vst.idx.add.f32.msk @!p0 $0xffff, v1  }
0xa1: {  	v2 =	vld @!p0 [tilespmem:$0x17F40];
	_ =	sdelay $0x7  }
0xa2: {  	[tilespmem:v2+s28+$0x0] =	vst.idx.add.f32.msk @!p0 $0xffff, v1  }
0xa3: {  	v2 =	vld @!p0 [tilespmem:$0x17F50];
	_ =	sdelay $0x7  }
0xa4: {  	[tilespmem:v2+s28+$0x0] =	vst.idx.add.f32.msk @!p0 $0xffff, v1  }
0xa5: {  	v2 =	vld @!p0 [tilespmem:$0x17F60];
	_ =	sdelay $0x7  }
0xa6: {  	[tilespmem:v2+s28+$0x0] =	vst.idx.add.f32.msk @!p0 $0xffff, v1  }
0xa7: {  	v2 =	vld @!p0 [tilespmem:$0x17F70];
	_ =	sdelay $0x7  }
0xa8: {  	[tilespmem:v2+s28+$0x0] =	vst.idx.add.f32.msk @!p0 $0xffff, v1;
	s28 =	simm.s32 @!p0 $0x2  }
0xa9: {  	_ =	swait.ge @!p0 [sflag:s28], $0x2000  }
0xaa: {  	s30 =	simm.s32 @!p0 $0xC000;
	[sflag:s28] =	ssyncset.done @!p0 $0x0  }
0xab: {  	s29 =	simm.s32 @!p0 $0x17F80;
	[sflag:s28] =	ssyncadd.s32 @!p0 $0xFFFFE000;
	s28 =	simm.s32 @!p0 $0x80  }
0xac: {  	[spmem:s2] =	stream.indirect.scatter.add.f32 @!p0 [tilespmem:s30], [sflag:$0x3], $0x40, s29, s28, $0xb8;
	[tilespmem:$0x1A800] =	vst v63  }
0xad: {  	s28 =	simm.s32 @!p0 $0x3  }
0xae: {  	_ =	swait.ge @!p0 [sflag:s28], $0x2000  }
0xaf: {  	[sflag:s28] =	ssyncset.done @!p0 $0x0  }
0xb0: {  	s30 =	sshll.u32 s0, $0x6;
	[sflag:s28] =	ssyncadd.s32 @!p0 $0xFFFFE000  }
0xb1: {  	s31 =	sshrl.u32 s4, $0x3;
	s28 =	sor.u32 $0x1C03, s30;
	[bflag:$0x0] =	sbarrier.arrive $0xFFFF  }
0xb2: {  	[hbm:s12], [sflag:s28] =	dma.local [spmem:s31], $0x1400  }
0xb3: {  	s26 =	sadd.s32 $0x1, s26;
	_ =	swait.ge [sflag:s16], $0x1400  }
0xb4: {  	p2 =	sne.s32 s26, s14;
	[sflag:s16] =	ssyncset.done $0x0  }
.Ltmp3:
0xb5: {  	[sflag:s16] =	ssyncadd.s32 $0xFFFFEC00;
	(pc) =	sbr.rel @p2 .LBB2_1-.Ltmp3, $4  }
0xb6: {  	[hbm4b:s13+s3] =	stream.linear.scatter [tilespmem:s25], [sflag:$0x3], $0x2800, $0x38;
	[tilespmem:$0x1A800] =	vst v63  }
0xb7: {  	_ =	swait.ge [sflag:s16], $0x2800  }
0xb8: {  	[sflag:s16] =	ssyncset.done $0x0  }
0xb9: {  	[sflag:s16] =	ssyncadd.s32 $0xFFFFD800  }
0xba: {  	_ =	sfence.sel $0x180000  }
0xbb: {  	[bflag:$0x0] =	sbarrier.arrive $0xFFFF  }
0xbc: {  	p0 =	sne.s32 s0, $0x0;
	_ =	strace $0x90000047  }
0xbd: {  	s0 =	sadd.s32 @!p0 $0x100000, s1;
	[bflag:$0x2] =	sbarrier.arrive $0xFFFF  }
0xbe: {  	[sflag:s0] =	ssyncadd.tile.s32 @!p0 $0x1;
	_ =	shalt  }
.Lfunc_end2:
_tile_overlayer_lowered:
.L_overlay_start_2:
0xbf: {  	(tag) =	ssettag $0x2  }
0xc0: {  	s0 =	rddreg [dreg:$0x0];
	s2 =	stileid.u32  }
0xc1: {  	s1 =	rddreg [dreg:$0x1];
	p0 =	sne.s32 s2, $0x0  }
0xc2: {  	s3 =	rddreg [dreg:$0x2];
	[bflag:$0x3] =	sbarrier.arrive $0xFFFF;
	s2 =	simm.s32 @!p0 $0x1C03  }
0xc3: {  	[timem:s3], [sflag:s2] =	dma.local @!p0 [hbm:s0], s1  }
0xc4: {  	s0 =	simm.s32 @!p0 $0x3  }
0xc5: {  	_ =	swait.ge @!p0 [sflag:s0], s1  }
0xc6: {  	s1 =	ssub.s32 @!p0 $0x0, s1;
	[sflag:s0] =	ssyncset.done @!p0 $0x0  }
0xc7: {  	[sflag:s0] =	ssyncadd.s32 @!p0 s1  }
0xc8: {  	[bflag:$0x3] =	sbarrier.arrive $0xFFFF  }
0xc9: {  	_ =	shalt  }

// kernel: kernel.9.cloned.1.call-start
scs
__scs_entry_jumppad:
0x0: {  	(pc) =	sbr.rel $0x88, $3  }
0x1: {  	(tag) =	ssettag $0x0;
	lr =	simm.s32 $0x1  }
0x2: {  	[smem:$0x3F99] =	sst lr;
	_ =	strace $0xD0000000  }
0x3: {  	_ = 	snop  }
0x4: {  	_ = 	snop  }
0x5: {  	_ = 	snop  }
0x6: {  	_ = 	snop  }
0x7: {  	_ = 	snop  }
__scs_overlays_trampoline_lowered:
0x8: {  	[smem:$0x3FA8] =	sst s0  }
0x9: {  	[smem:$0x3FA9] =	sst s1  }
0xa: {  	[smem:$0x3FAA] =	sst s2  }
0xb: {  	[smem:$0x3FAB] =	sst s3  }
0xc: {  	[smem:$0x3FAC] =	sst s4  }
0xd: {  	[smem:$0x3FAD] =	sst s5  }
0xe: {  	[smem:$0x3FAE] =	sst s6  }
0xf: {  	[smem:$0x3FAF] =	sst s7  }
0x10: {  	[smem:$0x3FB0] =	sst s8  }
0x11: {  	[smem:$0x3FB1] =	sst s9;
	s0 =	simm.s32 @!p0 $0x0  }
0x12: {  	s1 =	sld [smem:$0x3F97];
	s0 =	simm.s32 @p0 $0x1  }
0x13: {  	[smem:$0x3FB2] =	sst s0;
	s0 =	simm.s32 @!p1 $0x0  }
0x14: {  	s2 =	sld [smem:$0x3F96];
	s0 =	simm.s32 @p1 $0x1  }
0x15: {  	[smem:$0x3FB3] =	sst s0;
	s0 =	simm.s32 @!p2 $0x0  }
0x16: {  	s3 =	sld [smem:$0x3FDB];
	s0 =	simm.s32 @p2 $0x1  }
0x17: {  	s4 =	simm.s32 $0x1BF5;
	[smem:$0x3FB5] =	sst s0  }
0x18: {  	s0 =	sld [smem:$0x3F98];
	_ =	swait.ge [sflag:s4], $0x0  }
0x19: {  	s7 =	sld [smem:$0x3F99]  }
0x1a: {  	s8 =	sadd.s32 $0xFFFFE003, lr  }
0x1b: {  	s9 =	sadd.s32 $0xFFFFFEF7, lr;
	s5 =	simm.s32 $0xFFFFFFFF;
	p2 =	slt.u32 s8, $0xFFFFF086  }
0x1c: {  	p1 =	slt.u32 s9, $0xF7A;
	s5 =	simm.s32 @!p2 $0x0  }
0x1d: {  	s5 =	simm.s32 @p1 $0x1;
	p0 =	seq.s32 s7, s2  }
0x1e: {  	s7 =	smul.u32 @!p0 $0xF7A, s2;
	p2 =	seq.s32 @!p0 s5, $0x0  }
0x1f: {  	s9 =	smul.u32 $0xF7A, s1;
	s8 =	simm.s32 @!p0 $0x1BF5;
	p2 =	por !p2, p0  }
0x20: {  	[sflag:s8] =	ssyncset.s32 @!p0 $0xFFFFF086;
	s6 =	sadd.s32 @!p0 s3, s7;
	s7 =	simm.s32 @!p0 $0x108  }
0x21: {  	s3 =	sadd.s32 s3, s9;
	s6 =	sadd.s32 @!p0 $0x88, s6;
	s7 =	simm.s32 @p2 $0x1082  }
0x22: {  	[simem:s7], [sflag:s8] =	dma.local @!p0 [hbm:s6], $0xF7A  }
0x23: {  	s9 =	sor.u32 $0xD0000000, s2;
	s6 =	simm.s32 $0x108;
	_ =	swait.ge @!p0 [sflag:s8], $0x0  }
0x24: {  	s3 =	sadd.s32 $0x88, s3;
	s6 =	simm.s32 @!p1 $0x1082;
	[sflag:s4] =	ssyncset.s32 $0xFFFFF086  }
0x25: {  	[simem:s6], [sflag:s4] =	dma.local [hbm:s3], $0xF7A  }
0x26: {  	[smem:$0x3F99] =	sst s1;
	(tag) =	ssettag s2;
	_ =	strace s9  }
0x27: {  	s1 =	sld [smem:$0x3FA9]  }
0x28: {  	s2 =	sld [smem:$0x3FAA]  }
0x29: {  	s4 =	sld [smem:$0x3FAC]  }
0x2a: {  	p0 =	seq.s32 s5, $0x0;
	s5 =	sld [smem:$0x3FAD]  }
0x2b: {  	s6 =	sld [smem:$0x3FAE]  }
0x2c: {  	s7 =	sld [smem:$0x3FAF]  }
0x2d: {  	s3 =	simm.s32 $0x108;
	s8 =	sld [smem:$0x3FB0]  }
0x2e: {  	s3 =	simm.s32 @!p0 $0x1082;
	s9 =	sld [smem:$0x3FB1]  }
0x2f: {  	lr =	sadd.s32 s0, s3;
	s0 =	sld [smem:$0x3FA8]  }
0x30: {  	s3 =	sld [smem:$0x3FAB]  }
0x31: {  	[smem:$0x3FB4] =	sst s10  }
0x32: {  	s10 =	sld [smem:$0x3FB2];
	_ =	sdelay $0x3  }
0x33: {  	p0 =	seq.s32 s10, $0x1;
	s10 =	sld [smem:$0x3FB4];
	_ =	sdelay $0x3  }
0x34: {  	[smem:$0x3FB4] =	sst s10  }
0x35: {  	s10 =	sld [smem:$0x3FB3];
	_ =	sdelay $0x3  }
0x36: {  	p1 =	seq.s32 s10, $0x1;
	s10 =	sld [smem:$0x3FB4];
	_ =	sdelay $0x3  }
0x37: {  	[smem:$0x3FB4] =	sst s10  }
0x38: {  	s10 =	sld [smem:$0x3FB5]  }
0x39: {  	_ = 	snop;
	(pc) =	sbr.ind lr, $3  }
0x3a: {  	_ = 	snop  }
0x3b: {  	_ = 	snop  }
0x3c: {  	p2 =	seq.s32 s10, $0x1;
	s10 =	sld [smem:$0x3FB4]  }
0x3d: {  	_ =	shalt  }
0x3e: {  	_ =	shalt  }
0x3f: {  	_ =	shalt  }
0x40: {  	_ =	shalt  }
0x41: {  	_ =	shalt  }
0x42: {  	_ =	shalt  }
0x43: {  	_ =	shalt  }
0x44: {  	_ =	shalt  }
0x45: {  	_ =	shalt  }
0x46: {  	_ =	shalt  }
0x47: {  	_ =	shalt  }
0x48: {  	_ =	shalt  }
0x49: {  	_ =	shalt  }
0x4a: {  	_ =	shalt  }
0x4b: {  	_ =	shalt  }
0x4c: {  	_ =	shalt  }
0x4d: {  	_ =	shalt  }
0x4e: {  	_ =	shalt  }
0x4f: {  	_ =	shalt  }
0x50: {  	_ =	shalt  }
0x51: {  	_ =	shalt  }
0x52: {  	_ =	shalt  }
0x53: {  	_ =	shalt  }
0x54: {  	_ =	shalt  }
0x55: {  	_ =	shalt  }
0x56: {  	_ =	shalt  }
0x57: {  	_ =	shalt  }
0x58: {  	_ =	shalt  }
0x59: {  	_ =	shalt  }
0x5a: {  	_ =	shalt  }
0x5b: {  	_ =	shalt  }
0x5c: {  	_ =	shalt  }
0x5d: {  	_ =	shalt  }
0x5e: {  	_ =	shalt  }
0x5f: {  	_ =	shalt  }
0x60: {  	_ =	shalt  }
0x61: {  	_ =	shalt  }
0x62: {  	_ =	shalt  }
0x63: {  	_ =	shalt  }
0x64: {  	_ =	shalt  }
0x65: {  	_ =	shalt  }
0x66: {  	_ =	shalt  }
0x67: {  	_ =	shalt  }
0x68: {  	_ =	shalt  }
0x69: {  	_ =	shalt  }
0x6a: {  	_ =	shalt  }
0x6b: {  	_ =	shalt  }
0x6c: {  	_ =	shalt  }
0x6d: {  	_ =	shalt  }
0x6e: {  	_ =	shalt  }
0x6f: {  	_ =	shalt  }
0x70: {  	_ =	shalt  }
0x71: {  	_ =	shalt  }
0x72: {  	_ =	shalt  }
0x73: {  	_ =	shalt  }
0x74: {  	_ =	shalt  }
0x75: {  	_ =	shalt  }
0x76: {  	_ =	shalt  }
0x77: {  	_ =	shalt  }
0x78: {  	_ =	shalt  }
0x79: {  	_ =	shalt  }
0x7a: {  	_ =	shalt  }
0x7b: {  	_ =	shalt  }
0x7c: {  	_ =	shalt  }
0x7d: {  	_ =	shalt  }
0x7e: {  	_ =	shalt  }
0x7f: {  	_ =	shalt  }
0x80: {  	_ =	shalt  }
0x81: {  	_ =	shalt  }
0x82: {  	_ =	shalt  }
0x83: {  	_ =	shalt  }
0x84: {  	_ =	shalt  }
0x85: {  	_ =	shalt  }
0x86: {  	_ =	shalt  }
0x87: {  	_ =	shalt  }
.Lfunc_end0:
.L_simem_size_0:
called_computation.1_lowered:
.L_overlay_start_0:
0x88: {  	s2 =	sld [smem:$0x3FD9]  }
0x89: {  	s3 =	sld [smem:$0x3FFE];
	_ =	sdelay $0x1  }
0x8a: {  	s1 =	srdreg.scid  }
0x8b: {  	s0 =	sand.u32 $0x1, s1  }
0x8c: {  	s17 =	sshll.u32 s0, $0xA;
	s2 =	sadd.s32 s3, s2  }
0x8d: {  	s2 =	sadd.s32 s2, s17  }
0x8e: {  	[smem:$0x3FC0] =	sst s2  }
0x8f: {  	_ = 	snop  }
0x90: {  	s2 =	sld [smem:$0x3FD0];
	(tm) =	ssettm $0x1  }
0x91: {  	s18 =	sld [smem:$0x3FFB];
	_ =	sdelay $0x3  }
0x92: {  	_ =	strace s18  }
0x93: {  	s3 =	sld [smem:$0x3FFC];
	_ =	sdelay $0x3  }
0x94: {  	_ =	strace s3  }
0x95: {  	s3 =	sld [smem:$0x3FFD];
	_ =	sdelay $0x3  }
0x96: {  	_ =	strace s3  }
0x97: {  	_ =	strace $0x8FFFFFFF  }
0x98: {  	s19 =	sld [smem:$0x3FDB];
	_ =	sdelay $0x1  }
0x99: {  	s4 =	simm.s32 $_scs_section_size  }
0x9a: {  	s5 =	simm.s32 $_size__tile_overlayer_lowered;
	s6 =	simm.s32 $_tile_overlayer_lowered  }
0x9b: {  	s22 =	simm.s32 $0x1BFF;
	s21 =	sshll.u32 s6, $0x1;
	s3 =	sadd.s32 s4, s19  }
0x9c: {  	s7 =	simm.s32 $0x0;
	s20 =	sshll.u32 s5, $0x1;
	s5 =	sadd.s32 s21, s3  }
0x9d: {  	[timem:s7], [sflag:s22] =	dma.local [hbm:s5], s20  }
0x9e: {  	_ =	swait.ge [sflag:s22], s20  }
0x9f: {  	s4 =	ssub.s32 $0x0, s20;
	[sflag:s22] =	ssyncset.done $0x0  }
0xa0: {  	[sflag:s22] =	ssyncadd.s32 s4;
	_ =	sdelay $0x1  }
0xa1: {  	s23 =	simm.s32 $0x1B8B  }
0xa2: {  	_ =	swait.ge [sflag:s23], $0x1  }
0xa3: {  	[sflag:s23] =	ssyncset.done $0x0  }
0xa4: {  	s25 =	simm.s32 $0x1B8E;
	s24 =	sld [smem:$0x3FFE];
	[sflag:s23] =	ssyncadd.s32 $0xFFFFFFFF  }
0xa5: {  	s26 =	simm.s32 $execute0_lowered;
	[smem:$0x3FD2] =	sst s25  }
0xa6: {  	s5 =	sshll.u32 s26, $0x1;
	_ =	strace $0x80000049;
	[dreg:$0x1] =	wrdreg $0xFFFFFFFF  }
0xa7: {  	s28 =	simm.s32 $_size_execute0_lowered;
	s3 =	sadd.s32 s3, s5;
	[dreg:$0x0] =	wrdreg $0x0  }
0xa8: {  	s5 =	sshll.u32 s28, $0x1;
	[dreg:$0x2] =	wrdreg s3  }
0xa9: {  	[dreg:$0x3] =	wrdreg s5  }
0xaa: {  	[dreg:$0x4] =	wrdreg $0xC0  }
0xab: {  	_ =	task [dreg:s7], $0x5FFFF  }
0xac: {  	[dreg:$0x1] =	wrdreg $0xFFFFFFFF  }
0xad: {  	[dreg:$0x0] =	wrdreg $0x60  }
0xae: {  	[dreg:$0x2] =	wrdreg s2  }
0xaf: {  	[dreg:$0x3] =	wrdreg s24  }
0xb0: {  	[dreg:$0x4] =	wrdreg $0x0  }
0xb1: {  	[dreg:$0x5] =	wrdreg $0x9  }
0xb2: {  	_ =	task.clear_ibuf [dreg:s7], $0x6FFFF;
	_ =	strace $0x90000049  }
0xb3: {  	s29 =	simm.s32 $0x9;
	_ =	strace $0x8000004B  }
0xb4: {  	_ =	swait.ge [sflag:s29], $0x1  }
0xb5: {  	[sflag:s29] =	ssyncadd.s32 $0xFFFFFFFF  }
0xb6: {  	_ =	strace $0x9000004B  }
0xb7: {  	_ =	sfence  }
0xb8: {  	s30 =	sld [smem:$0x0];
	_ =	sdelay $0x2  }
0xb9: {  	s31 =	sshll.u32 s1, $0xD;
	s1 =	sshrl.u32 s1, $0x2  }
0xba: {  	s3 =	sand.u32 $0x4000, s31;
	s1 =	sadd.s32 s1, s30  }
0xbb: {  	s0 =	sor.u32 s3, s0;
	s1 =	sshll.u32 s1, $0x11  }
0xbc: {  	s0 =	sor.u32 s1, s0  }
0xbd: {  	s0 =	sadd.s32 $0x8F2B, s0  }
0xbe: {  	[sflag:s0] =	ssyncadd.remote.s32 $0x1  }
0xbf: {  	_ =	sfence.sel $0xFFFF  }
0xc0: {  	[dreg:$0x0] =	wrdreg $0xFFFFFFFF;
	(pc) =	sbr.abs _section_cstart, $3  }
0xc1: {  	[dreg:$0x1] =	wrdreg $0xFFFFFFFF  }
0xc2: {  	_ =	task.clear_ibuf [dreg:s7], $0x2FFFF;
	_ =	strace $0x9FFFFFFF  }
0xc3: {  	(tm) =	ssettm $0x7FFFFFFF  }
tec
execute0_lowered:
.L_overlay_start_1:
0x0: {  	(tag) =	ssettag $0x1  }
0x1: {  	s11 =	rddreg [dreg:$0x0]  }
0x2: {  	s4 =	rddreg [dreg:$0x1];
	s0 =	stileid.u32  }
0x3: {  	s1 =	srdreg.scid;
	s2 =	rddreg [dreg:$0x2];
	s3 =	simm.s32 $0x0  }
0x4: {  	s15 =	simm.s32 $0x3;
	s16 =	simm.s32 $0xE000;
	s17 =	simm.s32 $0x13000  }
0x5: {  	s18 =	simm.s32 $0x80;
	s19 =	simm.s32 $0xE080;
	s20 =	simm.s32 $0xC000  }
0x6: {  	s21 =	simm.s32 $0x1;
	s22 =	simm.s32 $0x2;
	s5 =	smul.u32 $0xA000, s0  }
0x7: {  	s23 =	simm.s32 $0x17F00;
	s24 =	simm.s32 $0x17F80;
	s8 =	smul.u32 $0xA00, s0  }
0x8: {  	s7 =	sand.u32 $0x1, s1;
	[smem:$0x7FF] =	sst s3;
	s9 =	smul.u32 $0x28000, s0  }
0x9: {  	s1 =	rddreg [dreg:$0x3];
	s6 =	smul.u32 $0xA0000, s7;
	_ =	strace $0x8000004A  }
0xa: {  	s28 =	ssub.s32 $0x2, s7;
	s14 =	smul.u32 $0x13880, s7;
	s10 =	sadd.s32 s8, s4  }
0xb: {  	s29 =	sshrl.u32 s28, $0x1;
	s30 =	sshrl.u32 s9, $0x2;
	s6 =	sadd.s32 s5, s6  }
0xc: {  	s13 =	ssub.s32 s28, s29;
	s31 =	sadd.s32 s30, s2;
	s9 =	sadd.s32 $0xB400, s10  }
0xd: {  	s10 =	sadd.s32 $0x1400, s10;
	s11 =	sadd.s32 s11, s14;
	s14 =	simm.s32 $0xA000  }
0xe: {  	s6 =	sshrl.u32 s6, $0x3;
	s7 =	sadd.s32 $0x6000, s31;
	s8 =	sadd.s32 $0x8000, s31  }
0xf: {  	s13 =	smax.u32 s13, $0x1;
	s12 =	sadd.s32 s6, s4;
	s4 =	sadd.s32 s5, s2  }
0x10: {  	v0 =	vimm.f32 $0.0e+00;
	s5 =	sadd.s32 $0x2000, s31;
	s6 =	sadd.s32 $0x4000, s31;
	s12 =	sadd.s32 $0x15400, s12  }
.LBB2_1:
0x11: {  	s26 =	simm.s32 $0x100;
	s25 =	simm.s32 $0x0  }
.LBB2_2:
0x12: {  	p0 =	sne.s32 s26, $0x7F00;
	[tilespmem:s25+$0xA030] =	vst v0;
	s28 =	smov.u32 s26;
	s26 =	sadd.s32 $0x100, s26  }
.Ltmp0:
0x13: {  	[tilespmem:s25+$0xA020] =	vst v0;
	(pc) =	sbr.rel @p0 .LBB2_2-.Ltmp0, $3  }
0x14: {  	[tilespmem:s25+$0xA000] =	vst v0  }
0x15: {  	[tilespmem:s25+$0xA010] =	vst v0;
	_ =	sdelay $0x1  }
0x16: {  	s25 =	sshra.s32 s28, $0x2  }
0x17: {  	[tilespmem:s25+$0xA030] =	vst v0  }
0x18: {  	[tilespmem:s25+$0xA020] =	vst v0  }
0x19: {  	[tilespmem:s25+$0xA000] =	vst v0  }
0x1a: {  	[tilespmem:s25+$0xA010] =	vst v0  }
0x1b: {  	[spmem:s4] =	stream.linear.scatter [tilespmem:s14], [sflag:$0x3], $0x2000, $0x38;
	[tilespmem:$0x18000] =	vst v63  }
0x1c: {  	_ =	swait.ge [sflag:s15], $0x2000  }
0x1d: {  	[sflag:s15] =	ssyncset.done $0x0  }
0x1e: {  	[sflag:s15] =	ssyncadd.s32 $0xFFFFE000  }
0x1f: {  	[spmem:s5] =	stream.linear.scatter [tilespmem:s14], [sflag:$0x3], $0x2000, $0x38;
	[tilespmem:$0x18000] =	vst v63  }
0x20: {  	_ =	swait.ge [sflag:s15], $0x2000  }
0x21: {  	[sflag:s15] =	ssyncset.done $0x0  }
0x22: {  	[sflag:s15] =	ssyncadd.s32 $0xFFFFE000  }
0x23: {  	[spmem:s6] =	stream.linear.scatter [tilespmem:s14], [sflag:$0x3], $0x2000, $0x38;
	[tilespmem:$0x18000] =	vst v63  }
0x24: {  	_ =	swait.ge [sflag:s15], $0x2000  }
0x25: {  	[sflag:s15] =	ssyncset.done $0x0  }
0x26: {  	[sflag:s15] =	ssyncadd.s32 $0xFFFFE000  }
0x27: {  	[spmem:s7] =	stream.linear.scatter [tilespmem:s14], [sflag:$0x3], $0x2000, $0x38;
	[tilespmem:$0x18000] =	vst v63  }
0x28: {  	_ =	swait.ge [sflag:s15], $0x2000  }
0x29: {  	[sflag:s15] =	ssyncset.done $0x0  }
0x2a: {  	[sflag:s15] =	ssyncadd.s32 $0xFFFFE000  }
0x2b: {  	[spmem:s8] =	stream.linear.scatter [tilespmem:s14], [sflag:$0x3], $0x2000, $0x38;
	[tilespmem:$0x18000] =	vst v63  }
0x2c: {  	_ =	swait.ge [sflag:s15], $0x2000  }
0x2d: {  	[sflag:s15] =	ssyncset.done $0x0  }
0x2e: {  	s28 =	simm.s32 $0x0;
	[sflag:s15] =	ssyncadd.s32 $0xFFFFE000  }
0x2f: {  	[tilespmem:s16], [sflag:$0x3] =	stream.linear.gather [hbm4b:s9+s28], $0x5000, $0x38;
	[tilespmem:$0x18000] =	vst v63  }
0x30: {  	_ =	swait.ge [sflag:s15], $0x5000  }
0x31: {  	[sflag:s15] =	ssyncset.done $0x0  }
0x32: {  	[sflag:s15] =	ssyncadd.s32 $0xFFFFB000  }
0x33: {  	[tilespmem:s17], [sflag:$0x3] =	stream.linear.gather [hbm4b:s10+s28], $0x5000, $0x38;
	[tilespmem:$0x18000] =	vst v63  }
0x34: {  	_ =	swait.ge [sflag:s15], $0x5000  }
0x35: {  	[sflag:s15] =	ssyncset.done $0x0  }
0x36: {  	[sflag:s15] =	ssyncadd.s32 $0xFFFFB000  }
0x37: {  	[bflag:$0x0] =	sbarrier.arrive $0xFFFF  }
0x38: {  	[tilespmem:s14], [sflag:$0x1] =	stream.indirect.gather [hbm4b:s11+s18], $0x40, s16, s18, $0xb8;
	[tilespmem:$0x18000] =	vst v63  }
0x39: {  	_ = 	snop  }
0x3a: {  	[tilespmem:s20], [sflag:$0x2] =	stream.indirect.gather [hbm4b:s11+s18], $0x40, s19, s18, $0xb8;
	[tilespmem:$0x18000] =	vst v63  }
0x3b: {  	_ =	swait.ge [sflag:s21], $0x2000  }
0x3c: {  	[sflag:s21] =	ssyncset.done $0x0  }
0x3d: {  	s29 =	simm.s32 $0x13000;
	[sflag:s21] =	ssyncadd.s32 $0xFFFFE000  }
0x3e: {  	[spmem:s2] =	stream.indirect.scatter.add.f32 [tilespmem:s14], [sflag:$0x3], $0x40, s29, s18, $0xb8;
	[tilespmem:$0x18000] =	vst v63  }
0x3f: {  	_ =	swait.ge [sflag:s15], $0x2000  }
0x40: {  	[sflag:s15] =	ssyncset.done $0x0  }
0x41: {  	s30 =	simm.s32 $0xE100;
	[sflag:s15] =	ssyncadd.s32 $0xFFFFE000  }
0x42: {  	[tilespmem:s14], [sflag:$0x1] =	stream.indirect.gather [hbm4b:s11+s18], $0x40, s30, s18, $0xb8;
	[tilespmem:$0x18000] =	vst v63  }
0x43: {  	_ =	swait.ge [sflag:s22], $0x2000  }
0x44: {  	[sflag:s22] =	ssyncset.done $0x0  }
0x45: {  	s31 =	simm.s32 $0x13080;
	[sflag:s22] =	ssyncadd.s32 $0xFFFFE000  }
0x46: {  	[spmem:s2] =	stream.indirect.scatter.add.f32 [tilespmem:s20], [sflag:$0x3], $0x40, s31, s18, $0xb8;
	[tilespmem:$0x18000] =	vst v63  }
0x47: {  	_ =	swait.ge [sflag:s15], $0x2000  }
0x48: {  	[sflag:s15] =	ssyncset.done $0x0  }
0x49: {  	s25 =	simm.s32 $0x400;
	s26 =	simm.s32 $0xE180;
	[sflag:s15] =	ssyncadd.s32 $0xFFFFE000  }
.LBB2_4:
0x4a: {  	[tilespmem:s20], [sflag:$0x2] =	stream.indirect.gather [hbm4b:s11+s18], $0x40, s26, s18, $0xb8;
	[tilespmem:$0x18000] =	vst v63  }
0x4b: {  	s26 =	smov.u32 s25  }
0x4c: {  	p0 =	sne.s32 s25, $0x13800;
	s25 =	sadd.s32 $0x400, s25;
	_ =	swait.ge [sflag:s21], $0x2000  }
0x4d: {  	s26 =	sshra.s32 s26, $0x2;
	[sflag:s21] =	ssyncset.done $0x0  }
0x4e: {  	s28 =	sadd.s32 $0x13000, s26;
	[sflag:s21] =	ssyncadd.s32 $0xFFFFE000  }
0x4f: {  	[spmem:s2] =	stream.indirect.scatter.add.f32 [tilespmem:s14], [sflag:$0x3], $0x40, s28, s18, $0xb8;
	[tilespmem:$0x18000] =	vst v63  }
0x50: {  	_ =	swait.ge [sflag:s15], $0x2000  }
0x51: {  	[sflag:s15] =	ssyncset.done $0x0  }
0x52: {  	s28 =	sadd.s32 $0xE100, s26;
	[sflag:s15] =	ssyncadd.s32 $0xFFFFE000  }
0x53: {  	[tilespmem:s14], [sflag:$0x1] =	stream.indirect.gather [hbm4b:s11+s18], $0x40, s28, s18, $0xb8;
	[tilespmem:$0x18000] =	vst v63  }
0x54: {  	_ =	swait.ge [sflag:s22], $0x2000  }
0x55: {  	[sflag:s22] =	ssyncset.done $0x0  }
.Ltmp1:
0x56: {  	s28 =	sadd.s32 $0x13080, s26;
	[sflag:s22] =	ssyncadd.s32 $0xFFFFE000;
	(pc) =	sbr.rel @p0 .LBB2_4-.Ltmp1, $4  }
0x57: {  	[spmem:s2] =	stream.indirect.scatter.add.f32 [tilespmem:s20], [sflag:$0x3], $0x40, s28, s18, $0xb8;
	[tilespmem:$0x18000] =	vst v63  }
0x58: {  	_ =	swait.ge [sflag:s15], $0x2000  }
0x59: {  	[sflag:s15] =	ssyncset.done $0x0  }
0x5a: {  	s26 =	sadd.s32 $0xE180, s26;
	[sflag:s15] =	ssyncadd.s32 $0xFFFFE000  }
0x5b: {  	[tilespmem:s20], [sflag:$0x2] =	stream.indirect.gather [hbm4b:s11+s18], $0x40, s26, s18, $0xb8;
	[tilespmem:$0x18000] =	vst v63  }
0x5c: {  	_ =	swait.ge [sflag:s21], $0x2000  }
0x5d: {  	[sflag:s21] =	ssyncset.done $0x0  }
0x5e: {  	[sflag:s21] =	ssyncadd.s32 $0xFFFFE000  }
0x5f: {  	[spmem:s2] =	stream.indirect.scatter.add.f32 [tilespmem:s14], [sflag:$0x3], $0x40, s23, s18, $0xb8;
	[tilespmem:$0x18000] =	vst v63  }
0x60: {  	_ =	swait.ge [sflag:s15], $0x2000  }
0x61: {  	[sflag:s15] =	ssyncset.done $0x0  }
0x62: {  	[sflag:s15] =	ssyncadd.s32 $0xFFFFE000  }
0x63: {  	_ =	swait.ge [sflag:s22], $0x2000  }
0x64: {  	[sflag:s22] =	ssyncset.done $0x0  }
0x65: {  	[sflag:s22] =	ssyncadd.s32 $0xFFFFE000  }
0x66: {  	[spmem:s2] =	stream.indirect.scatter.add.f32 [tilespmem:s20], [sflag:$0x3], $0x40, s24, s18, $0xb8;
	[tilespmem:$0x18000] =	vst v63  }
0x67: {  	_ =	swait.ge [sflag:s15], $0x2000  }
0x68: {  	s25 =	sshll.u32 s0, $0x6;
	s3 =	sadd.s32 $0x1, s3;
	[sflag:s15] =	ssyncset.done $0x0  }
0x69: {  	s31 =	sshrl.u32 s4, $0x3;
	p0 =	sne.s32 s3, s13;
	[sflag:s15] =	ssyncadd.s32 $0xFFFFE000  }
.Ltmp2:
0x6a: {  	s25 =	sor.u32 $0x1C03, s25;
	[bflag:$0x0] =	sbarrier.arrive $0xFFFF;
	(pc) =	sbr.rel @p0 .LBB2_1-.Ltmp2, $4  }
0x6b: {  	[hbm:s12], [sflag:s25] =	dma.local [spmem:s31], $0x1400  }
0x6c: {  	_ =	swait.ge [sflag:s15], $0x1400  }
0x6d: {  	[sflag:s15] =	ssyncset.done $0x0  }
0x6e: {  	[sflag:s15] =	ssyncadd.s32 $0xFFFFEC00  }
0x6f: {  	_ =	sfence.sel $0x180000  }
0x70: {  	[bflag:$0x0] =	sbarrier.arrive $0xFFFF  }
0x71: {  	p0 =	sne.s32 s0, $0x0;
	_ =	strace $0x9000004A  }
0x72: {  	s0 =	sadd.s32 @!p0 $0x100000, s1;
	[bflag:$0x2] =	sbarrier.arrive $0xFFFF  }
0x73: {  	[sflag:s0] =	ssyncadd.tile.s32 @!p0 $0x1;
	_ =	shalt  }
.Lfunc_end2:
_tile_overlayer_lowered:
.L_overlay_start_2:
0x74: {  	(tag) =	ssettag $0x2  }
0x75: {  	s0 =	rddreg [dreg:$0x0];
	s2 =	stileid.u32  }
0x76: {  	s1 =	rddreg [dreg:$0x1];
	p0 =	sne.s32 s2, $0x0  }
0x77: {  	s3 =	rddreg [dreg:$0x2];
	[bflag:$0x3] =	sbarrier.arrive $0xFFFF;
	s2 =	simm.s32 @!p0 $0x1C03  }
0x78: {  	[timem:s3], [sflag:s2] =	dma.local @!p0 [hbm:s0], s1  }
0x79: {  	s0 =	simm.s32 @!p0 $0x3  }
0x7a: {  	_ =	swait.ge @!p0 [sflag:s0], s1  }
0x7b: {  	s1 =	ssub.s32 @!p0 $0x0, s1;
	[sflag:s0] =	ssyncset.done @!p0 $0x0  }
0x7c: {  	[sflag:s0] =	ssyncadd.s32 @!p0 s1  }
0x7d: {  	[bflag:$0x3] =	sbarrier.arrive $0xFFFF  }
0x7e: {  	_ =	shalt  }

</sc_bundles>
